<compile_context>
chip_gen: v7x
topology: tpu7x:2x2x1
jax: 0.10.2.dev20260603
libtpu: 0.0.44.dev20260713+nightly
codegen_flags: <defaults>
</compile_context>

<pallas_src>
import functools

import jax
import jax.numpy as jnp
from jax import lax
from jax.experimental import pallas as pl
from jax.experimental.pallas import tpu as pltpu
from jax.experimental.pallas import tpu_sc as plsc

N_NODES = 10000
N_EDGES = 320000
D = 128

NC = 2
NS = 16
NW = NC * NS
CHUNK = 128
CHUNKS_PER_TILE = 80
E_PAD = NW * CHUNK * CHUNKS_PER_TILE
N_PAD = 10240
ROWS_PER_TILE = N_PAD // NS

BLK = 1024
GRID = N_PAD // BLK


def _sc_mesh():
    return plsc.VectorSubcoreMesh(core_axis_name="c", subcore_axis_name="s")


DW = D


@functools.partial(
    pl.kernel,
    out_type=jax.ShapeDtypeStruct((NC, N_PAD, DW), jnp.float32),
    mesh=_sc_mesh(),
    scratch_types=[
        pltpu.VMEM((CHUNKS_PER_TILE, CHUNK), jnp.int32),
        pltpu.VMEM((CHUNK, DW), jnp.float32),
        pltpu.VMEM_SHARED((N_PAD, DW), jnp.float32),
        pltpu.SemaphoreType.DMA,
    ],
)
def _deg_kernel(dst_hbm, ones_hbm, zero_hbm, out_hbm, dst_v, ones_v, acc, sem):
    c = lax.axis_index("c")
    s = lax.axis_index("s")
    wid = c * NS + s
    pltpu.sync_copy(dst_hbm.at[wid], dst_v)
    pltpu.sync_copy(ones_hbm, ones_v)
    pltpu.sync_copy(zero_hbm, acc.at[pl.ds(s * ROWS_PER_TILE, ROWS_PER_TILE)])
    plsc.subcore_barrier()

    def body(j, carry):
        pltpu.sync_copy(ones_v, acc.at[dst_v.at[j]], add=True)
        return carry

    lax.fori_loop(0, CHUNKS_PER_TILE, body, 0)
    plsc.subcore_barrier()
    rows = pl.ds(s * ROWS_PER_TILE, ROWS_PER_TILE)
    pltpu.sync_copy(acc.at[rows], out_hbm.at[c, rows])


@functools.partial(
    pl.kernel,
    out_type=jax.ShapeDtypeStruct((NC, N_PAD, D), jnp.float32),
    mesh=_sc_mesh(),
    scratch_types=[
        pltpu.VMEM((CHUNKS_PER_TILE // 2, CHUNK), jnp.int32),
        pltpu.VMEM((CHUNKS_PER_TILE // 2, CHUNK), jnp.int32),
        pltpu.VMEM((CHUNK, D), jnp.float32),
        pltpu.VMEM((CHUNK, D), jnp.float32),
        pltpu.VMEM_SHARED((N_PAD, D), jnp.float32),
        pltpu.SemaphoreType.DMA,
        pltpu.SemaphoreType.DMA,
    ],
)
def _agg_kernel(g_hbm, src_hbm, dst_hbm, zero_hbm, out_hbm,
                src_v, dst_v, rows_a, rows_b, acc, sem_a, sem_b):
    c = lax.axis_index("c")
    s = lax.axis_index("s")
    wid = c * NS + s
    half = CHUNKS_PER_TILE // 2
    n_pairs = half // 2
    pltpu.sync_copy(zero_hbm, acc.at[pl.ds(s * ROWS_PER_TILE, ROWS_PER_TILE)])
    plsc.subcore_barrier()

    for h in range(2):
        pltpu.sync_copy(src_hbm.at[wid, pl.ds(h * half, half)], src_v)
        pltpu.sync_copy(dst_hbm.at[wid, pl.ds(h * half, half)], dst_v)
        pltpu.async_copy(g_hbm.at[src_v.at[0]], rows_a, sem_a)

        def body(jj, carry):
            j0 = 2 * jj
            pltpu.async_copy(g_hbm.at[src_v.at[j0 + 1]], rows_b, sem_b)
            pltpu.make_async_copy(g_hbm.at[src_v.at[j0]], rows_a, sem_a).wait()
            pltpu.sync_copy(rows_a, acc.at[dst_v.at[j0]], add=True)

            @pl.when(jj + 1 < n_pairs)
            def _():
                pltpu.async_copy(g_hbm.at[src_v.at[j0 + 2]], rows_a, sem_a)

            pltpu.make_async_copy(g_hbm.at[src_v.at[j0 + 1]], rows_b, sem_b).wait()
            pltpu.sync_copy(rows_b, acc.at[dst_v.at[j0 + 1]], add=True)
            return carry

        lax.fori_loop(0, n_pairs, body, 0)

    plsc.subcore_barrier()
    rows = pl.ds(s * ROWS_PER_TILE, ROWS_PER_TILE)
    pltpu.sync_copy(acc.at[rows], out_hbm.at[c, rows])


def _dinv(d0_ref, d1_ref):
    return lax.rsqrt(d0_ref[:, 0:1] + d1_ref[:, 0:1] + 1.0)


def _first_body(x_ref, w_ref, d0_ref, d1_ref, o_ref):
    o_ref[...] = jnp.dot(x_ref[...], w_ref[...],
                         preferred_element_type=jnp.float32) * _dinv(d0_ref, d1_ref)


def _mid_body(a0_ref, a1_ref, g_ref, d0_ref, d1_ref, w_ref, b_ref, o_ref):
    dinv = _dinv(d0_ref, d1_ref)
    z = (a0_ref[...] + a1_ref[...] + g_ref[...]) * dinv + b_ref[...]
    z = jnp.maximum(z, 0.0)
    o_ref[...] = jnp.dot(z, w_ref[...],
                         preferred_element_type=jnp.float32) * dinv


def _final_body(a0_ref, a1_ref, g_ref, d0_ref, d1_ref, b_ref, o_ref):
    dinv = _dinv(d0_ref, d1_ref)
    o_ref[...] = (a0_ref[...] + a1_ref[...] + g_ref[...]) * dinv + b_ref[...]


def _row_spec():
    return pl.BlockSpec((BLK, D), lambda i: (i, 0))


def _deg_spec():
    return pl.BlockSpec((BLK, DW), lambda i: (i, 0))


def _full_spec(shape):
    return pl.BlockSpec(shape, lambda i: (0,) * len(shape))


def _tc_first(x, w, d0, d1):
    return pl.pallas_call(
        _first_body,
        grid=(GRID,),
        in_specs=[_row_spec(), _full_spec((D, D)), _deg_spec(), _deg_spec()],
        out_specs=_row_spec(),
        out_shape=jax.ShapeDtypeStruct((N_PAD, D), jnp.float32),
    )(x, w, d0, d1)


def _tc_mid(a0, a1, g, d0, d1, w, b):
    return pl.pallas_call(
        _mid_body,
        grid=(GRID,),
        in_specs=[_row_spec(), _row_spec(), _row_spec(), _deg_spec(),
                  _deg_spec(), _full_spec((D, D)), _full_spec((1, D))],
        out_specs=_row_spec(),
        out_shape=jax.ShapeDtypeStruct((N_PAD, D), jnp.float32),
    )(a0, a1, g, d0, d1, w, b)


FBLK = 1000


def _fin_spec():
    return pl.BlockSpec((FBLK, D), lambda i: (i, 0))


def _tc_final(a0, a1, g, d0, d1, b):
    return pl.pallas_call(
        _final_body,
        grid=(N_NODES // FBLK,),
        in_specs=[_fin_spec(), _fin_spec(), _fin_spec(),
                  pl.BlockSpec((FBLK, DW), lambda i: (i, 0)),
                  pl.BlockSpec((FBLK, DW), lambda i: (i, 0)),
                  _full_spec((1, D))],
        out_specs=_fin_spec(),
        out_shape=jax.ShapeDtypeStruct((N_NODES, D), jnp.float32),
    )(a0, a1, g, d0, d1, b)


def kernel(edge_index, input_tensor, W1, b1, W2, b2):
    src = edge_index[0].astype(jnp.int32)
    dst = edge_index[1].astype(jnp.int32)
    pad = N_NODES + (jnp.arange(E_PAD - N_EDGES, dtype=jnp.int32)
                     % (N_PAD - N_NODES))
    src3 = jnp.concatenate([src, pad]).reshape(NW, CHUNKS_PER_TILE, CHUNK)
    dst3 = jnp.concatenate([dst, pad]).reshape(NW, CHUNKS_PER_TILE, CHUNK)
    x_pad = jnp.zeros((N_PAD, D), jnp.float32).at[:N_NODES].set(input_tensor)
    ones_rows = jnp.ones((CHUNK, DW), jnp.float32)
    zdeg = jnp.zeros((ROWS_PER_TILE, DW), jnp.float32)
    zrows = jnp.zeros((ROWS_PER_TILE, D), jnp.float32)

    degp = _deg_kernel(dst3, ones_rows, zdeg)
    d0, d1 = degp[0], degp[1]

    g1 = _tc_first(x_pad, W1, d0, d1)
    acc1 = _agg_kernel(g1, src3, dst3, zrows)
    g2 = _tc_mid(acc1[0], acc1[1], g1, d0, d1, W2, b1.reshape(1, D))
    acc2 = _agg_kernel(g2, src3, dst3, zrows)
    return _tc_final(acc2[0], acc2[1], g2, d0, d1, b2.reshape(1, D))

# --- scband reference (transcript-rebuilt; emitter-appended) ---
"""Pipeline reference for scband-gcn-1082331759086 (READ-ONLY COPY).

The authoritative reference and input builder live on the scoring server;
editing this copy changes nothing except your own understanding.
"""

import jax, jax.numpy as jnp
import numpy as np

N_NODES = 10000
N_EDGES = 320000
D_IN = 128
D_HIDDEN = 128
D_OUT = 128


def setup_inputs(seed: int = 0) -> dict:
    key = jax.random.key(seed)
    k1, k2, k3, k4, k5, k6 = jax.random.split(key, 6)
    edge_index = jax.random.randint(k1, (2, N_EDGES), 0, N_NODES, dtype=jnp.int64)
    input_tensor = jax.random.normal(k2, (N_NODES, D_IN), dtype=jnp.float32)
    # Glorot-style init for GCNConv weights, zeros for bias (PyG default)
    s1 = float(np.sqrt(6.0 / (D_IN + D_HIDDEN)))
    s2 = float(np.sqrt(6.0 / (D_HIDDEN + D_OUT)))
    W1 = jax.random.uniform(k3, (D_IN, D_HIDDEN), minval=-s1, maxval=s1, dtype=jnp.float32)
    b1 = jnp.zeros((D_HIDDEN,), dtype=jnp.float32)
    W2 = jax.random.uniform(k4, (D_HIDDEN, D_OUT), minval=-s2, maxval=s2, dtype=jnp.float32)
    b2 = jnp.zeros((D_OUT,), dtype=jnp.float32)
    return {"edge_index": edge_index, "input_tensor": input_tensor, "W1": W1, "b1": b1, "W2": W2, "b2": b2}


def _gcn_conv(x, edge_index, W, b, num_nodes):
    # GCNConv: x' = D^{-1/2} (A + I) D^{-1/2} X W + b
    loop = jnp.arange(num_nodes, dtype=edge_index.dtype)
    src = jnp.concatenate([edge_index[0], loop])
    dst = jnp.concatenate([edge_index[1], loop])
    deg = jnp.zeros((num_nodes,), dtype=x.dtype).at[dst].add(1.0)
    deg_inv_sqrt = jnp.where(deg > 0, jax.lax.rsqrt(jnp.maximum(deg, 1e-12)), 0.0)
    norm = deg_inv_sqrt[src] * deg_inv_sqrt[dst]
    h = x @ W
    msg = h[src] * norm[:, None]
    out = jnp.zeros((num_nodes, h.shape[1]), dtype=x.dtype).at[dst].add(msg)
    return out + b


def reference(edge_index, input_tensor, W1, b1, W2, b2):
    x = jax.nn.relu(_gcn_conv(input_tensor, edge_index, W1, b1, N_NODES))
    x = _gcn_conv(x, edge_index, W2, b2, N_NODES)
    return x

if __name__ == "__main__":
    import jax
    _d = setup_inputs()
    print(jax.jit(kernel)(*tuple(_d.values())))

</pallas_src>

<mosaic_0001>
#map = affine_map<(d0, d1) -> (0, 0)>
#map1 = affine_map<(d0, d1) -> (0, 0, 0)>
module attributes {stable_mosaic.version = 14 : i64} {
  func.func @_agg_kernel(%arg0: i32, %arg1: i32, %arg2: memref<10240x128xf32, #tpu.memory_space<hbm>>, %arg3: memref<32x80x128xi32, #tpu.memory_space<hbm>>, %arg4: memref<32x80x128xi32, #tpu.memory_space<hbm>>, %arg5: memref<640x128xf32, #tpu.memory_space<hbm>>, %arg6: memref<2x10240x128xf32, #tpu.memory_space<hbm>>, %arg7: memref<40x128xi32, #tpu.memory_space<vmem>>, %arg8: memref<40x128xi32, #tpu.memory_space<vmem>>, %arg9: memref<128x128xf32, #tpu.memory_space<vmem>>, %arg10: memref<128x128xf32, #tpu.memory_space<vmem>>, %arg11: memref<10240x128xf32, #tpu.memory_space<vmem_shared>>, %arg12: memref<!tpu.dma_semaphore, #tpu.memory_space<semaphore_mem>>, %arg13: memref<!tpu.dma_semaphore, #tpu.memory_space<semaphore_mem>>) attributes {dimension_semantics = [#tpu.dimension_semantics<core_parallel>, #tpu.dimension_semantics<subcore_parallel>], iteration_bounds = array<i64: 2, 16>, scalar_prefetch = 0 : i64, scratch_operands = 7 : i64, tpu.core_type = #tpu.core_type<sc_vector_subcore>, window_params = [{transform_indices = #map}, {transform_indices = #map1}, {transform_indices = #map1}, {transform_indices = #map}, {transform_indices = #map1}]} {
    %mul3A = arith.constant 16 : i32
    %mul3A_0 = arith.muli %arg0, %mul3A : i32
    %add3A = arith.addi %mul3A_0, %arg1 : i32
    %mul3A_1 = arith.constant 640 : i32
    %mul3A_2 = arith.muli %arg1, %mul3A_1 : i32
    "tpu.region"() ({
      %run_scoped3A = tpu.sem_alloc : memref<!tpu.dma_semaphore, #tpu.memory_space<semaphore_mem>>
      %dma_start3A_30 = arith.constant 0 : i32
      %dma_start3A_31 = tpu.memref_slice %arg11[%mul3A_2, %dma_start3A_30] : memref<10240x128xf32, #tpu.memory_space<vmem_shared>> -> memref<640x128xf32, #tpu.memory_space<vmem_shared>>
      tpu.enqueue_dma source(%arg5 : memref<640x128xf32, #tpu.memory_space<hbm>>) target(%dma_start3A_31 : memref<640x128xf32, #tpu.memory_space<vmem_shared>>) target_semaphore(%run_scoped3A : memref<!tpu.dma_semaphore, #tpu.memory_space<semaphore_mem>>)
      %dma_wait3A = arith.constant 0 : i32
      %dma_wait3A_32 = tpu.memref_slice %arg11[%mul3A_2, %dma_wait3A] : memref<10240x128xf32, #tpu.memory_space<vmem_shared>> -> memref<640x128xf32, #tpu.memory_space<vmem_shared>>
      tpu.wait_dma2 semaphore(%run_scoped3A : memref<!tpu.dma_semaphore, #tpu.memory_space<semaphore_mem>>) src(%arg5 : memref<640x128xf32, #tpu.memory_space<hbm>>) dst(%dma_wait3A_32 : memref<640x128xf32, #tpu.memory_space<vmem_shared>>)
      tpu.yield
    }) : () -> ()
    %barrier3A = arith.constant 0 : index
    tpu.barrier barrier_id(%barrier3A)
    "tpu.region"() ({
      %run_scoped3A = tpu.sem_alloc : memref<!tpu.dma_semaphore, #tpu.memory_space<semaphore_mem>>
      %dma_start3A_30 = arith.constant 0 : i32
      %dma_start3A_31 = arith.constant 0 : i32
      %dma_start3A_32 = tpu.memref_slice %arg3[%add3A, %dma_start3A_30, %dma_start3A_31] : memref<32x80x128xi32, #tpu.memory_space<hbm>> -> memref<1x40x128xi32, #tpu.memory_space<hbm>>
      %dma_start3A_33 = tpu.memref_squeeze %dma_start3A_32 : memref<1x40x128xi32, #tpu.memory_space<hbm>> -> memref<40x128xi32, #tpu.memory_space<hbm>>
      %dma_start3A_34 = arith.constant 0 : i32
      %dma_start3A_35 = arith.constant 0 : i32
      %dma_start3A_36 = tpu.memref_slice %arg3[%add3A, %dma_start3A_34, %dma_start3A_35] : memref<32x80x128xi32, #tpu.memory_space<hbm>> -> memref<1x40x128xi32, #tpu.memory_space<hbm>>
      %dma_start3A_37 = tpu.memref_squeeze %dma_start3A_36 : memref<1x40x128xi32, #tpu.memory_space<hbm>> -> memref<40x128xi32, #tpu.memory_space<hbm>>
      tpu.enqueue_dma source(%dma_start3A_37 : memref<40x128xi32, #tpu.memory_space<hbm>>) target(%arg7 : memref<40x128xi32, #tpu.memory_space<vmem>>) target_semaphore(%run_scoped3A : memref<!tpu.dma_semaphore, #tpu.memory_space<semaphore_mem>>)
      %dma_wait3A = arith.constant 0 : i32
      %dma_wait3A_38 = arith.constant 0 : i32
      %dma_wait3A_39 = tpu.memref_slice %arg3[%add3A, %dma_wait3A, %dma_wait3A_38] : memref<32x80x128xi32, #tpu.memory_space<hbm>> -> memref<1x40x128xi32, #tpu.memory_space<hbm>>
      %dma_wait3A_40 = tpu.memref_squeeze %dma_wait3A_39 : memref<1x40x128xi32, #tpu.memory_space<hbm>> -> memref<40x128xi32, #tpu.memory_space<hbm>>
      %dma_wait3A_41 = arith.constant 0 : i32
      %dma_wait3A_42 = arith.constant 0 : i32
      %dma_wait3A_43 = tpu.memref_slice %arg3[%add3A, %dma_wait3A_41, %dma_wait3A_42] : memref<32x80x128xi32, #tpu.memory_space<hbm>> -> memref<1x40x128xi32, #tpu.memory_space<hbm>>
      %dma_wait3A_44 = tpu.memref_squeeze %dma_wait3A_43 : memref<1x40x128xi32, #tpu.memory_space<hbm>> -> memref<40x128xi32, #tpu.memory_space<hbm>>
      tpu.wait_dma2 semaphore(%run_scoped3A : memref<!tpu.dma_semaphore, #tpu.memory_space<semaphore_mem>>) src(%dma_wait3A_44 : memref<40x128xi32, #tpu.memory_space<hbm>>) dst(%arg7 : memref<40x128xi32, #tpu.memory_space<vmem>>)
      tpu.yield
    }) : () -> ()
    "tpu.region"() ({
      %run_scoped3A = tpu.sem_alloc : memref<!tpu.dma_semaphore, #tpu.memory_space<semaphore_mem>>
      %dma_start3A_30 = arith.constant 0 : i32
      %dma_start3A_31 = arith.constant 0 : i32
      %dma_start3A_32 = tpu.memref_slice %arg4[%add3A, %dma_start3A_30, %dma_start3A_31] : memref<32x80x128xi32, #tpu.memory_space<hbm>> -> memref<1x40x128xi32, #tpu.memory_space<hbm>>
      %dma_start3A_33 = tpu.memref_squeeze %dma_start3A_32 : memref<1x40x128xi32, #tpu.memory_space<hbm>> -> memref<40x128xi32, #tpu.memory_space<hbm>>
      %dma_start3A_34 = arith.constant 0 : i32
      %dma_start3A_35 = arith.constant 0 : i32
      %dma_start3A_36 = tpu.memref_slice %arg4[%add3A, %dma_start3A_34, %dma_start3A_35] : memref<32x80x128xi32, #tpu.memory_space<hbm>> -> memref<1x40x128xi32, #tpu.memory_space<hbm>>
      %dma_start3A_37 = tpu.memref_squeeze %dma_start3A_36 : memref<1x40x128xi32, #tpu.memory_space<hbm>> -> memref<40x128xi32, #tpu.memory_space<hbm>>
      tpu.enqueue_dma source(%dma_start3A_37 : memref<40x128xi32, #tpu.memory_space<hbm>>) target(%arg8 : memref<40x128xi32, #tpu.memory_space<vmem>>) target_semaphore(%run_scoped3A : memref<!tpu.dma_semaphore, #tpu.memory_space<semaphore_mem>>)
      %dma_wait3A = arith.constant 0 : i32
      %dma_wait3A_38 = arith.constant 0 : i32
      %dma_wait3A_39 = tpu.memref_slice %arg4[%add3A, %dma_wait3A, %dma_wait3A_38] : memref<32x80x128xi32, #tpu.memory_space<hbm>> -> memref<1x40x128xi32, #tpu.memory_space<hbm>>
      %dma_wait3A_40 = tpu.memref_squeeze %dma_wait3A_39 : memref<1x40x128xi32, #tpu.memory_space<hbm>> -> memref<40x128xi32, #tpu.memory_space<hbm>>
      %dma_wait3A_41 = arith.constant 0 : i32
      %dma_wait3A_42 = arith.constant 0 : i32
      %dma_wait3A_43 = tpu.memref_slice %arg4[%add3A, %dma_wait3A_41, %dma_wait3A_42] : memref<32x80x128xi32, #tpu.memory_space<hbm>> -> memref<1x40x128xi32, #tpu.memory_space<hbm>>
      %dma_wait3A_44 = tpu.memref_squeeze %dma_wait3A_43 : memref<1x40x128xi32, #tpu.memory_space<hbm>> -> memref<40x128xi32, #tpu.memory_space<hbm>>
      tpu.wait_dma2 semaphore(%run_scoped3A : memref<!tpu.dma_semaphore, #tpu.memory_space<semaphore_mem>>) src(%dma_wait3A_44 : memref<40x128xi32, #tpu.memory_space<hbm>>) dst(%arg8 : memref<40x128xi32, #tpu.memory_space<vmem>>)
      tpu.yield
    }) : () -> ()
    %dma_start3A = arith.constant 0 : i32
    %dma_start3A_3 = arith.constant 0 : i32
    %dma_start3A_4 = tpu.memref_slice %arg7[%dma_start3A, %dma_start3A_3] : memref<40x128xi32, #tpu.memory_space<vmem>> -> memref<1x128xi32, #tpu.memory_space<vmem>>
    %dma_start3A_5 = tpu.memref_squeeze %dma_start3A_4 : memref<1x128xi32, #tpu.memory_space<vmem>> -> memref<128xi32, #tpu.memory_space<vmem>>
    %dma_start3A_6 = arith.constant 0 : i32
    %dma_start3A_7 = arith.constant 0 : i32
    %dma_start3A_8 = tpu.memref_slice %arg2[%dma_start3A_6, %dma_start3A_7] : memref<10240x128xf32, #tpu.memory_space<hbm>> -> memref<10240x128xf32, #tpu.memory_space<hbm>>
    tpu.enqueue_indirect_dma source(%dma_start3A_8 : memref<10240x128xf32, #tpu.memory_space<hbm>>) target(%arg9 : memref<128x128xf32, #tpu.memory_space<vmem>>) offsets(%dma_start3A_5 : memref<128xi32, #tpu.memory_space<vmem>>) semaphore(%arg12 : memref<!tpu.dma_semaphore, #tpu.memory_space<semaphore_mem>>)
    %scan3A = arith.constant 0 : i32
    %scan3A_9 = arith.constant 0 : i32
    %scan3A_10 = arith.constant 20 : i32
    %scan3A_11 = arith.addi %scan3A_9, %scan3A_10 : i32
    %scan3A_12 = arith.constant 1 : i32
    scf.for %scan3A_30 = %scan3A_9 to %scan3A_11 step %scan3A_12  : i32 {
      %mul3A_31 = arith.constant 2 : i32
      %mul3A_32 = arith.muli %mul3A_31, %scan3A_30 : i32
      %add3A_33 = arith.constant 1 : i32
      %add3A_34 = arith.addi %mul3A_32, %add3A_33 : i32
      %dma_start3A_35 = arith.constant 0 : i32
      %dma_start3A_36 = tpu.memref_slice %arg7[%add3A_34, %dma_start3A_35] : memref<40x128xi32, #tpu.memory_space<vmem>> -> memref<1x128xi32, #tpu.memory_space<vmem>>
      %dma_start3A_37 = tpu.memref_squeeze %dma_start3A_36 : memref<1x128xi32, #tpu.memory_space<vmem>> -> memref<128xi32, #tpu.memory_space<vmem>>
      %dma_start3A_38 = arith.constant 0 : i32
      %dma_start3A_39 = arith.constant 0 : i32
      %dma_start3A_40 = tpu.memref_slice %arg2[%dma_start3A_38, %dma_start3A_39] : memref<10240x128xf32, #tpu.memory_space<hbm>> -> memref<10240x128xf32, #tpu.memory_space<hbm>>
      tpu.enqueue_indirect_dma source(%dma_start3A_40 : memref<10240x128xf32, #tpu.memory_space<hbm>>) target(%arg10 : memref<128x128xf32, #tpu.memory_space<vmem>>) offsets(%dma_start3A_37 : memref<128xi32, #tpu.memory_space<vmem>>) semaphore(%arg13 : memref<!tpu.dma_semaphore, #tpu.memory_space<semaphore_mem>>)
      %dma_wait3A = arith.constant 0 : i32
      %dma_wait3A_41 = tpu.memref_slice %arg7[%mul3A_32, %dma_wait3A] : memref<40x128xi32, #tpu.memory_space<vmem>> -> memref<1x128xi32, #tpu.memory_space<vmem>>
      %dma_wait3A_42 = tpu.memref_squeeze %dma_wait3A_41 : memref<1x128xi32, #tpu.memory_space<vmem>> -> memref<128xi32, #tpu.memory_space<vmem>>
      %dma_wait3A_43 = arith.constant 0 : i32
      %dma_wait3A_44 = arith.constant 0 : i32
      %dma_wait3A_45 = tpu.memref_slice %arg2[%dma_wait3A_43, %dma_wait3A_44] : memref<10240x128xf32, #tpu.memory_space<hbm>> -> memref<10240x128xf32, #tpu.memory_space<hbm>>
      tpu.wait_indirect_dma semaphore(%arg12 : memref<!tpu.dma_semaphore, #tpu.memory_space<semaphore_mem>>) src(%dma_wait3A_45 : memref<10240x128xf32, #tpu.memory_space<hbm>>) dst(%arg9 : memref<128x128xf32, #tpu.memory_space<vmem>>)
      "tpu.region"() ({
        %run_scoped3A = tpu.sem_alloc : memref<!tpu.dma_semaphore, #tpu.memory_space<semaphore_mem>>
        %dma_start3A_60 = arith.constant 0 : i32
        %dma_start3A_61 = tpu.memref_slice %arg8[%mul3A_32, %dma_start3A_60] : memref<40x128xi32, #tpu.memory_space<vmem>> -> memref<1x128xi32, #tpu.memory_space<vmem>>
        %dma_start3A_62 = tpu.memref_squeeze %dma_start3A_61 : memref<1x128xi32, #tpu.memory_space<vmem>> -> memref<128xi32, #tpu.memory_space<vmem>>
        %dma_start3A_63 = arith.constant 0 : i32
        %dma_start3A_64 = arith.constant 0 : i32
        %dma_start3A_65 = tpu.memref_slice %arg11[%dma_start3A_63, %dma_start3A_64] : memref<10240x128xf32, #tpu.memory_space<vmem_shared>> -> memref<10240x128xf32, #tpu.memory_space<vmem_shared>>
        tpu.enqueue_indirect_dma source(%arg9 : memref<128x128xf32, #tpu.memory_space<vmem>>) target(%dma_start3A_65 : memref<10240x128xf32, #tpu.memory_space<vmem_shared>>) offsets(%dma_start3A_62 : memref<128xi32, #tpu.memory_space<vmem>>) semaphore(%run_scoped3A : memref<!tpu.dma_semaphore, #tpu.memory_space<semaphore_mem>>) {add = true}
        %dma_wait3A_66 = arith.constant 0 : i32
        %dma_wait3A_67 = tpu.memref_slice %arg8[%mul3A_32, %dma_wait3A_66] : memref<40x128xi32, #tpu.memory_space<vmem>> -> memref<1x128xi32, #tpu.memory_space<vmem>>
        %dma_wait3A_68 = tpu.memref_squeeze %dma_wait3A_67 : memref<1x128xi32, #tpu.memory_space<vmem>> -> memref<128xi32, #tpu.memory_space<vmem>>
        %dma_wait3A_69 = arith.constant 0 : i32
        %dma_wait3A_70 = arith.constant 0 : i32
        %dma_wait3A_71 = tpu.memref_slice %arg11[%dma_wait3A_69, %dma_wait3A_70] : memref<10240x128xf32, #tpu.memory_space<vmem_shared>> -> memref<10240x128xf32, #tpu.memory_space<vmem_shared>>
        tpu.wait_indirect_dma semaphore(%run_scoped3A : memref<!tpu.dma_semaphore, #tpu.memory_space<semaphore_mem>>) src(%arg9 : memref<128x128xf32, #tpu.memory_space<vmem>>) dst(%dma_wait3A_71 : memref<10240x128xf32, #tpu.memory_space<vmem_shared>>)
        tpu.yield
      }) : () -> ()
      %add3A_46 = arith.constant 1 : i32
      %add3A_47 = arith.addi %scan3A_30, %add3A_46 : i32
      %lt3A = arith.constant 20 : i32
      %lt3A_48 = arith.cmpi slt, %add3A_47, %lt3A : i32
      %convert_element_type3A = arith.extui %lt3A_48 : i1 to i32
      %cond3A = arith.constant 0 : i32
      %cond3A_49 = arith.cmpi ne, %convert_element_type3A, %cond3A : i32
      scf.if %cond3A_49 {
        %add3A_60 = arith.constant 2 : i32
        %add3A_61 = arith.addi %mul3A_32, %add3A_60 : i32
        %dma_start3A_62 = arith.constant 0 : i32
        %dma_start3A_63 = tpu.memref_slice %arg7[%add3A_61, %dma_start3A_62] : memref<40x128xi32, #tpu.memory_space<vmem>> -> memref<1x128xi32, #tpu.memory_space<vmem>>
        %dma_start3A_64 = tpu.memref_squeeze %dma_start3A_63 : memref<1x128xi32, #tpu.memory_space<vmem>> -> memref<128xi32, #tpu.memory_space<vmem>>
        %dma_start3A_65 = arith.constant 0 : i32
        %dma_start3A_66 = arith.constant 0 : i32
        %dma_start3A_67 = tpu.memref_slice %arg2[%dma_start3A_65, %dma_start3A_66] : memref<10240x128xf32, #tpu.memory_space<hbm>> -> memref<10240x128xf32, #tpu.memory_space<hbm>>
        tpu.enqueue_indirect_dma source(%dma_start3A_67 : memref<10240x128xf32, #tpu.memory_space<hbm>>) target(%arg9 : memref<128x128xf32, #tpu.memory_space<vmem>>) offsets(%dma_start3A_64 : memref<128xi32, #tpu.memory_space<vmem>>) semaphore(%arg12 : memref<!tpu.dma_semaphore, #tpu.memory_space<semaphore_mem>>)
      } else {
      }
      %add3A_50 = arith.constant 1 : i32
      %add3A_51 = arith.addi %mul3A_32, %add3A_50 : i32
      %dma_wait3A_52 = arith.constant 0 : i32
      %dma_wait3A_53 = tpu.memref_slice %arg7[%add3A_51, %dma_wait3A_52] : memref<40x128xi32, #tpu.memory_space<vmem>> -> memref<1x128xi32, #tpu.memory_space<vmem>>
      %dma_wait3A_54 = tpu.memref_squeeze %dma_wait3A_53 : memref<1x128xi32, #tpu.memory_space<vmem>> -> memref<128xi32, #tpu.memory_space<vmem>>
      %dma_wait3A_55 = arith.constant 0 : i32
      %dma_wait3A_56 = arith.constant 0 : i32
      %dma_wait3A_57 = tpu.memref_slice %arg2[%dma_wait3A_55, %dma_wait3A_56] : memref<10240x128xf32, #tpu.memory_space<hbm>> -> memref<10240x128xf32, #tpu.memory_space<hbm>>
      tpu.wait_indirect_dma semaphore(%arg13 : memref<!tpu.dma_semaphore, #tpu.memory_space<semaphore_mem>>) src(%dma_wait3A_57 : memref<10240x128xf32, #tpu.memory_space<hbm>>) dst(%arg10 : memref<128x128xf32, #tpu.memory_space<vmem>>)
      %add3A_58 = arith.constant 1 : i32
      %add3A_59 = arith.addi %mul3A_32, %add3A_58 : i32
      "tpu.region"() ({
        %run_scoped3A = tpu.sem_alloc : memref<!tpu.dma_semaphore, #tpu.memory_space<semaphore_mem>>
        %dma_start3A_60 = arith.constant 0 : i32
        %dma_start3A_61 = tpu.memref_slice %arg8[%add3A_59, %dma_start3A_60] : memref<40x128xi32, #tpu.memory_space<vmem>> -> memref<1x128xi32, #tpu.memory_space<vmem>>
        %dma_start3A_62 = tpu.memref_squeeze %dma_start3A_61 : memref<1x128xi32, #tpu.memory_space<vmem>> -> memref<128xi32, #tpu.memory_space<vmem>>
        %dma_start3A_63 = arith.constant 0 : i32
        %dma_start3A_64 = arith.constant 0 : i32
        %dma_start3A_65 = tpu.memref_slice %arg11[%dma_start3A_63, %dma_start3A_64] : memref<10240x128xf32, #tpu.memory_space<vmem_shared>> -> memref<10240x128xf32, #tpu.memory_space<vmem_shared>>
        tpu.enqueue_indirect_dma source(%arg10 : memref<128x128xf32, #tpu.memory_space<vmem>>) target(%dma_start3A_65 : memref<10240x128xf32, #tpu.memory_space<vmem_shared>>) offsets(%dma_start3A_62 : memref<128xi32, #tpu.memory_space<vmem>>) semaphore(%run_scoped3A : memref<!tpu.dma_semaphore, #tpu.memory_space<semaphore_mem>>) {add = true}
        %dma_wait3A_66 = arith.constant 0 : i32
        %dma_wait3A_67 = tpu.memref_slice %arg8[%add3A_59, %dma_wait3A_66] : memref<40x128xi32, #tpu.memory_space<vmem>> -> memref<1x128xi32, #tpu.memory_space<vmem>>
        %dma_wait3A_68 = tpu.memref_squeeze %dma_wait3A_67 : memref<1x128xi32, #tpu.memory_space<vmem>> -> memref<128xi32, #tpu.memory_space<vmem>>
        %dma_wait3A_69 = arith.constant 0 : i32
        %dma_wait3A_70 = arith.constant 0 : i32
        %dma_wait3A_71 = tpu.memref_slice %arg11[%dma_wait3A_69, %dma_wait3A_70] : memref<10240x128xf32, #tpu.memory_space<vmem_shared>> -> memref<10240x128xf32, #tpu.memory_space<vmem_shared>>
        tpu.wait_indirect_dma semaphore(%run_scoped3A : memref<!tpu.dma_semaphore, #tpu.memory_space<semaphore_mem>>) src(%arg10 : memref<128x128xf32, #tpu.memory_space<vmem>>) dst(%dma_wait3A_71 : memref<10240x128xf32, #tpu.memory_space<vmem_shared>>)
        tpu.yield
      }) : () -> ()
    }
    %scan3A_13 = arith.constant 20 : i32
    "tpu.region"() ({
      %run_scoped3A = tpu.sem_alloc : memref<!tpu.dma_semaphore, #tpu.memory_space<semaphore_mem>>
      %dma_start3A_30 = arith.constant 40 : i32
      %dma_start3A_31 = arith.constant 0 : i32
      %dma_start3A_32 = tpu.memref_slice %arg3[%add3A, %dma_start3A_30, %dma_start3A_31] : memref<32x80x128xi32, #tpu.memory_space<hbm>> -> memref<1x40x128xi32, #tpu.memory_space<hbm>>
      %dma_start3A_33 = tpu.memref_squeeze %dma_start3A_32 : memref<1x40x128xi32, #tpu.memory_space<hbm>> -> memref<40x128xi32, #tpu.memory_space<hbm>>
      %dma_start3A_34 = arith.constant 40 : i32
      %dma_start3A_35 = arith.constant 0 : i32
      %dma_start3A_36 = tpu.memref_slice %arg3[%add3A, %dma_start3A_34, %dma_start3A_35] : memref<32x80x128xi32, #tpu.memory_space<hbm>> -> memref<1x40x128xi32, #tpu.memory_space<hbm>>
      %dma_start3A_37 = tpu.memref_squeeze %dma_start3A_36 : memref<1x40x128xi32, #tpu.memory_space<hbm>> -> memref<40x128xi32, #tpu.memory_space<hbm>>
      tpu.enqueue_dma source(%dma_start3A_37 : memref<40x128xi32, #tpu.memory_space<hbm>>) target(%arg7 : memref<40x128xi32, #tpu.memory_space<vmem>>) target_semaphore(%run_scoped3A : memref<!tpu.dma_semaphore, #tpu.memory_space<semaphore_mem>>)
      %dma_wait3A = arith.constant 40 : i32
      %dma_wait3A_38 = arith.constant 0 : i32
      %dma_wait3A_39 = tpu.memref_slice %arg3[%add3A, %dma_wait3A, %dma_wait3A_38] : memref<32x80x128xi32, #tpu.memory_space<hbm>> -> memref<1x40x128xi32, #tpu.memory_space<hbm>>
      %dma_wait3A_40 = tpu.memref_squeeze %dma_wait3A_39 : memref<1x40x128xi32, #tpu.memory_space<hbm>> -> memref<40x128xi32, #tpu.memory_space<hbm>>
      %dma_wait3A_41 = arith.constant 40 : i32
      %dma_wait3A_42 = arith.constant 0 : i32
      %dma_wait3A_43 = tpu.memref_slice %arg3[%add3A, %dma_wait3A_41, %dma_wait3A_42] : memref<32x80x128xi32, #tpu.memory_space<hbm>> -> memref<1x40x128xi32, #tpu.memory_space<hbm>>
      %dma_wait3A_44 = tpu.memref_squeeze %dma_wait3A_43 : memref<1x40x128xi32, #tpu.memory_space<hbm>> -> memref<40x128xi32, #tpu.memory_space<hbm>>
      tpu.wait_dma2 semaphore(%run_scoped3A : memref<!tpu.dma_semaphore, #tpu.memory_space<semaphore_mem>>) src(%dma_wait3A_44 : memref<40x128xi32, #tpu.memory_space<hbm>>) dst(%arg7 : memref<40x128xi32, #tpu.memory_space<vmem>>)
      tpu.yield
    }) : () -> ()
    "tpu.region"() ({
      %run_scoped3A = tpu.sem_alloc : memref<!tpu.dma_semaphore, #tpu.memory_space<semaphore_mem>>
      %dma_start3A_30 = arith.constant 40 : i32
      %dma_start3A_31 = arith.constant 0 : i32
      %dma_start3A_32 = tpu.memref_slice %arg4[%add3A, %dma_start3A_30, %dma_start3A_31] : memref<32x80x128xi32, #tpu.memory_space<hbm>> -> memref<1x40x128xi32, #tpu.memory_space<hbm>>
      %dma_start3A_33 = tpu.memref_squeeze %dma_start3A_32 : memref<1x40x128xi32, #tpu.memory_space<hbm>> -> memref<40x128xi32, #tpu.memory_space<hbm>>
      %dma_start3A_34 = arith.constant 40 : i32
      %dma_start3A_35 = arith.constant 0 : i32
      %dma_start3A_36 = tpu.memref_slice %arg4[%add3A, %dma_start3A_34, %dma_start3A_35] : memref<32x80x128xi32, #tpu.memory_space<hbm>> -> memref<1x40x128xi32, #tpu.memory_space<hbm>>
      %dma_start3A_37 = tpu.memref_squeeze %dma_start3A_36 : memref<1x40x128xi32, #tpu.memory_space<hbm>> -> memref<40x128xi32, #tpu.memory_space<hbm>>
      tpu.enqueue_dma source(%dma_start3A_37 : memref<40x128xi32, #tpu.memory_space<hbm>>) target(%arg8 : memref<40x128xi32, #tpu.memory_space<vmem>>) target_semaphore(%run_scoped3A : memref<!tpu.dma_semaphore, #tpu.memory_space<semaphore_mem>>)
      %dma_wait3A = arith.constant 40 : i32
      %dma_wait3A_38 = arith.constant 0 : i32
      %dma_wait3A_39 = tpu.memref_slice %arg4[%add3A, %dma_wait3A, %dma_wait3A_38] : memref<32x80x128xi32, #tpu.memory_space<hbm>> -> memref<1x40x128xi32, #tpu.memory_space<hbm>>
      %dma_wait3A_40 = tpu.memref_squeeze %dma_wait3A_39 : memref<1x40x128xi32, #tpu.memory_space<hbm>> -> memref<40x128xi32, #tpu.memory_space<hbm>>
      %dma_wait3A_41 = arith.constant 40 : i32
      %dma_wait3A_42 = arith.constant 0 : i32
      %dma_wait3A_43 = tpu.memref_slice %arg4[%add3A, %dma_wait3A_41, %dma_wait3A_42] : memref<32x80x128xi32, #tpu.memory_space<hbm>> -> memref<1x40x128xi32, #tpu.memory_space<hbm>>
      %dma_wait3A_44 = tpu.memref_squeeze %dma_wait3A_43 : memref<1x40x128xi32, #tpu.memory_space<hbm>> -> memref<40x128xi32, #tpu.memory_space<hbm>>
      tpu.wait_dma2 semaphore(%run_scoped3A : memref<!tpu.dma_semaphore, #tpu.memory_space<semaphore_mem>>) src(%dma_wait3A_44 : memref<40x128xi32, #tpu.memory_space<hbm>>) dst(%arg8 : memref<40x128xi32, #tpu.memory_space<vmem>>)
      tpu.yield
    }) : () -> ()
    %dma_start3A_14 = arith.constant 0 : i32
    %dma_start3A_15 = arith.constant 0 : i32
    %dma_start3A_16 = tpu.memref_slice %arg7[%dma_start3A_14, %dma_start3A_15] : memref<40x128xi32, #tpu.memory_space<vmem>> -> memref<1x128xi32, #tpu.memory_space<vmem>>
    %dma_start3A_17 = tpu.memref_squeeze %dma_start3A_16 : memref<1x128xi32, #tpu.memory_space<vmem>> -> memref<128xi32, #tpu.memory_space<vmem>>
    %dma_start3A_18 = arith.constant 0 : i32
    %dma_start3A_19 = arith.constant 0 : i32
    %dma_start3A_20 = tpu.memref_slice %arg2[%dma_start3A_18, %dma_start3A_19] : memref<10240x128xf32, #tpu.memory_space<hbm>> -> memref<10240x128xf32, #tpu.memory_space<hbm>>
    tpu.enqueue_indirect_dma source(%dma_start3A_20 : memref<10240x128xf32, #tpu.memory_space<hbm>>) target(%arg9 : memref<128x128xf32, #tpu.memory_space<vmem>>) offsets(%dma_start3A_17 : memref<128xi32, #tpu.memory_space<vmem>>) semaphore(%arg12 : memref<!tpu.dma_semaphore, #tpu.memory_space<semaphore_mem>>)
    %scan3A_21 = arith.constant 0 : i32
    %scan3A_22 = arith.constant 0 : i32
    %scan3A_23 = arith.constant 20 : i32
    %scan3A_24 = arith.addi %scan3A_22, %scan3A_23 : i32
    %scan3A_25 = arith.constant 1 : i32
    scf.for %scan3A_30 = %scan3A_22 to %scan3A_24 step %scan3A_25  : i32 {
      %mul3A_31 = arith.constant 2 : i32
      %mul3A_32 = arith.muli %mul3A_31, %scan3A_30 : i32
      %add3A_33 = arith.constant 1 : i32
      %add3A_34 = arith.addi %mul3A_32, %add3A_33 : i32
      %dma_start3A_35 = arith.constant 0 : i32
      %dma_start3A_36 = tpu.memref_slice %arg7[%add3A_34, %dma_start3A_35] : memref<40x128xi32, #tpu.memory_space<vmem>> -> memref<1x128xi32, #tpu.memory_space<vmem>>
      %dma_start3A_37 = tpu.memref_squeeze %dma_start3A_36 : memref<1x128xi32, #tpu.memory_space<vmem>> -> memref<128xi32, #tpu.memory_space<vmem>>
      %dma_start3A_38 = arith.constant 0 : i32
      %dma_start3A_39 = arith.constant 0 : i32
      %dma_start3A_40 = tpu.memref_slice %arg2[%dma_start3A_38, %dma_start3A_39] : memref<10240x128xf32, #tpu.memory_space<hbm>> -> memref<10240x128xf32, #tpu.memory_space<hbm>>
      tpu.enqueue_indirect_dma source(%dma_start3A_40 : memref<10240x128xf32, #tpu.memory_space<hbm>>) target(%arg10 : memref<128x128xf32, #tpu.memory_space<vmem>>) offsets(%dma_start3A_37 : memref<128xi32, #tpu.memory_space<vmem>>) semaphore(%arg13 : memref<!tpu.dma_semaphore, #tpu.memory_space<semaphore_mem>>)
      %dma_wait3A = arith.constant 0 : i32
      %dma_wait3A_41 = tpu.memref_slice %arg7[%mul3A_32, %dma_wait3A] : memref<40x128xi32, #tpu.memory_space<vmem>> -> memref<1x128xi32, #tpu.memory_space<vmem>>
      %dma_wait3A_42 = tpu.memref_squeeze %dma_wait3A_41 : memref<1x128xi32, #tpu.memory_space<vmem>> -> memref<128xi32, #tpu.memory_space<vmem>>
      %dma_wait3A_43 = arith.constant 0 : i32
      %dma_wait3A_44 = arith.constant 0 : i32
      %dma_wait3A_45 = tpu.memref_slice %arg2[%dma_wait3A_43, %dma_wait3A_44] : memref<10240x128xf32, #tpu.memory_space<hbm>> -> memref<10240x128xf32, #tpu.memory_space<hbm>>
      tpu.wait_indirect_dma semaphore(%arg12 : memref<!tpu.dma_semaphore, #tpu.memory_space<semaphore_mem>>) src(%dma_wait3A_45 : memref<10240x128xf32, #tpu.memory_space<hbm>>) dst(%arg9 : memref<128x128xf32, #tpu.memory_space<vmem>>)
      "tpu.region"() ({
        %run_scoped3A = tpu.sem_alloc : memref<!tpu.dma_semaphore, #tpu.memory_space<semaphore_mem>>
        %dma_start3A_60 = arith.constant 0 : i32
        %dma_start3A_61 = tpu.memref_slice %arg8[%mul3A_32, %dma_start3A_60] : memref<40x128xi32, #tpu.memory_space<vmem>> -> memref<1x128xi32, #tpu.memory_space<vmem>>
        %dma_start3A_62 = tpu.memref_squeeze %dma_start3A_61 : memref<1x128xi32, #tpu.memory_space<vmem>> -> memref<128xi32, #tpu.memory_space<vmem>>
        %dma_start3A_63 = arith.constant 0 : i32
        %dma_start3A_64 = arith.constant 0 : i32
        %dma_start3A_65 = tpu.memref_slice %arg11[%dma_start3A_63, %dma_start3A_64] : memref<10240x128xf32, #tpu.memory_space<vmem_shared>> -> memref<10240x128xf32, #tpu.memory_space<vmem_shared>>
        tpu.enqueue_indirect_dma source(%arg9 : memref<128x128xf32, #tpu.memory_space<vmem>>) target(%dma_start3A_65 : memref<10240x128xf32, #tpu.memory_space<vmem_shared>>) offsets(%dma_start3A_62 : memref<128xi32, #tpu.memory_space<vmem>>) semaphore(%run_scoped3A : memref<!tpu.dma_semaphore, #tpu.memory_space<semaphore_mem>>) {add = true}
        %dma_wait3A_66 = arith.constant 0 : i32
        %dma_wait3A_67 = tpu.memref_slice %arg8[%mul3A_32, %dma_wait3A_66] : memref<40x128xi32, #tpu.memory_space<vmem>> -> memref<1x128xi32, #tpu.memory_space<vmem>>
        %dma_wait3A_68 = tpu.memref_squeeze %dma_wait3A_67 : memref<1x128xi32, #tpu.memory_space<vmem>> -> memref<128xi32, #tpu.memory_space<vmem>>
        %dma_wait3A_69 = arith.constant 0 : i32
        %dma_wait3A_70 = arith.constant 0 : i32
        %dma_wait3A_71 = tpu.memref_slice %arg11[%dma_wait3A_69, %dma_wait3A_70] : memref<10240x128xf32, #tpu.memory_space<vmem_shared>> -> memref<10240x128xf32, #tpu.memory_space<vmem_shared>>
        tpu.wait_indirect_dma semaphore(%run_scoped3A : memref<!tpu.dma_semaphore, #tpu.memory_space<semaphore_mem>>) src(%arg9 : memref<128x128xf32, #tpu.memory_space<vmem>>) dst(%dma_wait3A_71 : memref<10240x128xf32, #tpu.memory_space<vmem_shared>>)
        tpu.yield
      }) : () -> ()
      %add3A_46 = arith.constant 1 : i32
      %add3A_47 = arith.addi %scan3A_30, %add3A_46 : i32
      %lt3A = arith.constant 20 : i32
      %lt3A_48 = arith.cmpi slt, %add3A_47, %lt3A : i32
      %convert_element_type3A = arith.extui %lt3A_48 : i1 to i32
      %cond3A = arith.constant 0 : i32
      %cond3A_49 = arith.cmpi ne, %convert_element_type3A, %cond3A : i32
      scf.if %cond3A_49 {
        %add3A_60 = arith.constant 2 : i32
        %add3A_61 = arith.addi %mul3A_32, %add3A_60 : i32
        %dma_start3A_62 = arith.constant 0 : i32
        %dma_start3A_63 = tpu.memref_slice %arg7[%add3A_61, %dma_start3A_62] : memref<40x128xi32, #tpu.memory_space<vmem>> -> memref<1x128xi32, #tpu.memory_space<vmem>>
        %dma_start3A_64 = tpu.memref_squeeze %dma_start3A_63 : memref<1x128xi32, #tpu.memory_space<vmem>> -> memref<128xi32, #tpu.memory_space<vmem>>
        %dma_start3A_65 = arith.constant 0 : i32
        %dma_start3A_66 = arith.constant 0 : i32
        %dma_start3A_67 = tpu.memref_slice %arg2[%dma_start3A_65, %dma_start3A_66] : memref<10240x128xf32, #tpu.memory_space<hbm>> -> memref<10240x128xf32, #tpu.memory_space<hbm>>
        tpu.enqueue_indirect_dma source(%dma_start3A_67 : memref<10240x128xf32, #tpu.memory_space<hbm>>) target(%arg9 : memref<128x128xf32, #tpu.memory_space<vmem>>) offsets(%dma_start3A_64 : memref<128xi32, #tpu.memory_space<vmem>>) semaphore(%arg12 : memref<!tpu.dma_semaphore, #tpu.memory_space<semaphore_mem>>)
      } else {
      }
      %add3A_50 = arith.constant 1 : i32
      %add3A_51 = arith.addi %mul3A_32, %add3A_50 : i32
      %dma_wait3A_52 = arith.constant 0 : i32
      %dma_wait3A_53 = tpu.memref_slice %arg7[%add3A_51, %dma_wait3A_52] : memref<40x128xi32, #tpu.memory_space<vmem>> -> memref<1x128xi32, #tpu.memory_space<vmem>>
      %dma_wait3A_54 = tpu.memref_squeeze %dma_wait3A_53 : memref<1x128xi32, #tpu.memory_space<vmem>> -> memref<128xi32, #tpu.memory_space<vmem>>
      %dma_wait3A_55 = arith.constant 0 : i32
      %dma_wait3A_56 = arith.constant 0 : i32
      %dma_wait3A_57 = tpu.memref_slice %arg2[%dma_wait3A_55, %dma_wait3A_56] : memref<10240x128xf32, #tpu.memory_space<hbm>> -> memref<10240x128xf32, #tpu.memory_space<hbm>>
      tpu.wait_indirect_dma semaphore(%arg13 : memref<!tpu.dma_semaphore, #tpu.memory_space<semaphore_mem>>) src(%dma_wait3A_57 : memref<10240x128xf32, #tpu.memory_space<hbm>>) dst(%arg10 : memref<128x128xf32, #tpu.memory_space<vmem>>)
      %add3A_58 = arith.constant 1 : i32
      %add3A_59 = arith.addi %mul3A_32, %add3A_58 : i32
      "tpu.region"() ({
        %run_scoped3A = tpu.sem_alloc : memref<!tpu.dma_semaphore, #tpu.memory_space<semaphore_mem>>
        %dma_start3A_60 = arith.constant 0 : i32
        %dma_start3A_61 = tpu.memref_slice %arg8[%add3A_59, %dma_start3A_60] : memref<40x128xi32, #tpu.memory_space<vmem>> -> memref<1x128xi32, #tpu.memory_space<vmem>>
        %dma_start3A_62 = tpu.memref_squeeze %dma_start3A_61 : memref<1x128xi32, #tpu.memory_space<vmem>> -> memref<128xi32, #tpu.memory_space<vmem>>
        %dma_start3A_63 = arith.constant 0 : i32
        %dma_start3A_64 = arith.constant 0 : i32
        %dma_start3A_65 = tpu.memref_slice %arg11[%dma_start3A_63, %dma_start3A_64] : memref<10240x128xf32, #tpu.memory_space<vmem_shared>> -> memref<10240x128xf32, #tpu.memory_space<vmem_shared>>
        tpu.enqueue_indirect_dma source(%arg10 : memref<128x128xf32, #tpu.memory_space<vmem>>) target(%dma_start3A_65 : memref<10240x128xf32, #tpu.memory_space<vmem_shared>>) offsets(%dma_start3A_62 : memref<128xi32, #tpu.memory_space<vmem>>) semaphore(%run_scoped3A : memref<!tpu.dma_semaphore, #tpu.memory_space<semaphore_mem>>) {add = true}
        %dma_wait3A_66 = arith.constant 0 : i32
        %dma_wait3A_67 = tpu.memref_slice %arg8[%add3A_59, %dma_wait3A_66] : memref<40x128xi32, #tpu.memory_space<vmem>> -> memref<1x128xi32, #tpu.memory_space<vmem>>
        %dma_wait3A_68 = tpu.memref_squeeze %dma_wait3A_67 : memref<1x128xi32, #tpu.memory_space<vmem>> -> memref<128xi32, #tpu.memory_space<vmem>>
        %dma_wait3A_69 = arith.constant 0 : i32
        %dma_wait3A_70 = arith.constant 0 : i32
        %dma_wait3A_71 = tpu.memref_slice %arg11[%dma_wait3A_69, %dma_wait3A_70] : memref<10240x128xf32, #tpu.memory_space<vmem_shared>> -> memref<10240x128xf32, #tpu.memory_space<vmem_shared>>
        tpu.wait_indirect_dma semaphore(%run_scoped3A : memref<!tpu.dma_semaphore, #tpu.memory_space<semaphore_mem>>) src(%arg10 : memref<128x128xf32, #tpu.memory_space<vmem>>) dst(%dma_wait3A_71 : memref<10240x128xf32, #tpu.memory_space<vmem_shared>>)
        tpu.yield
      }) : () -> ()
    }
    %scan3A_26 = arith.constant 20 : i32
    %barrier3A_27 = arith.constant 0 : index
    tpu.barrier barrier_id(%barrier3A_27)
    %mul3A_28 = arith.constant 640 : i32
    %mul3A_29 = arith.muli %arg1, %mul3A_28 : i32
    "tpu.region"() ({
      %run_scoped3A = tpu.sem_alloc : memref<!tpu.dma_semaphore, #tpu.memory_space<semaphore_mem>>
      %dma_start3A_30 = arith.constant 0 : i32
      %dma_start3A_31 = tpu.memref_slice %arg6[%arg0, %mul3A_29, %dma_start3A_30] : memref<2x10240x128xf32, #tpu.memory_space<hbm>> -> memref<1x640x128xf32, #tpu.memory_space<hbm>>
      %dma_start3A_32 = tpu.memref_squeeze %dma_start3A_31 : memref<1x640x128xf32, #tpu.memory_space<hbm>> -> memref<640x128xf32, #tpu.memory_space<hbm>>
      %dma_start3A_33 = arith.constant 0 : i32
      %dma_start3A_34 = tpu.memref_slice %arg11[%mul3A_29, %dma_start3A_33] : memref<10240x128xf32, #tpu.memory_space<vmem_shared>> -> memref<640x128xf32, #tpu.memory_space<vmem_shared>>
      tpu.enqueue_dma source(%dma_start3A_34 : memref<640x128xf32, #tpu.memory_space<vmem_shared>>) target(%dma_start3A_32 : memref<640x128xf32, #tpu.memory_space<hbm>>) target_semaphore(%run_scoped3A : memref<!tpu.dma_semaphore, #tpu.memory_space<semaphore_mem>>)
      %dma_wait3A = arith.constant 0 : i32
      %dma_wait3A_35 = tpu.memref_slice %arg6[%arg0, %mul3A_29, %dma_wait3A] : memref<2x10240x128xf32, #tpu.memory_space<hbm>> -> memref<1x640x128xf32, #tpu.memory_space<hbm>>
      %dma_wait3A_36 = tpu.memref_squeeze %dma_wait3A_35 : memref<1x640x128xf32, #tpu.memory_space<hbm>> -> memref<640x128xf32, #tpu.memory_space<hbm>>
      %dma_wait3A_37 = arith.constant 0 : i32
      %dma_wait3A_38 = tpu.memref_slice %arg11[%mul3A_29, %dma_wait3A_37] : memref<10240x128xf32, #tpu.memory_space<vmem_shared>> -> memref<640x128xf32, #tpu.memory_space<vmem_shared>>
      tpu.wait_dma2 semaphore(%run_scoped3A : memref<!tpu.dma_semaphore, #tpu.memory_space<semaphore_mem>>) src(%dma_wait3A_38 : memref<640x128xf32, #tpu.memory_space<vmem_shared>>) dst(%dma_wait3A_36 : memref<640x128xf32, #tpu.memory_space<hbm>>)
      tpu.yield
    }) : () -> ()
    return
  }
}

#map = affine_map<(d0, d1) -> (0, 0, 0)>
#map1 = affine_map<(d0, d1) -> (0, 0)>
module attributes {stable_mosaic.version = 14 : i64} {
  func.func @_deg_kernel(%arg0: i32, %arg1: i32, %arg2: memref<32x80x128xi32, #tpu.memory_space<hbm>>, %arg3: memref<128x128xf32, #tpu.memory_space<hbm>>, %arg4: memref<640x128xf32, #tpu.memory_space<hbm>>, %arg5: memref<2x10240x128xf32, #tpu.memory_space<hbm>>, %arg6: memref<80x128xi32, #tpu.memory_space<vmem>>, %arg7: memref<128x128xf32, #tpu.memory_space<vmem>>, %arg8: memref<10240x128xf32, #tpu.memory_space<vmem_shared>>, %arg9: memref<!tpu.dma_semaphore, #tpu.memory_space<semaphore_mem>>) attributes {dimension_semantics = [#tpu.dimension_semantics<core_parallel>, #tpu.dimension_semantics<subcore_parallel>], iteration_bounds = array<i64: 2, 16>, scalar_prefetch = 0 : i64, scratch_operands = 4 : i64, tpu.core_type = #tpu.core_type<sc_vector_subcore>, window_params = [{transform_indices = #map}, {transform_indices = #map1}, {transform_indices = #map1}, {transform_indices = #map}]} {
    %mul3A = arith.constant 16 : i32
    %mul3A_0 = arith.muli %arg0, %mul3A : i32
    %add3A = arith.addi %mul3A_0, %arg1 : i32
    "tpu.region"() ({
      %run_scoped3A = tpu.sem_alloc : memref<!tpu.dma_semaphore, #tpu.memory_space<semaphore_mem>>
      %dma_start3A = arith.constant 0 : i32
      %dma_start3A_11 = arith.constant 0 : i32
      %dma_start3A_12 = tpu.memref_slice %arg2[%add3A, %dma_start3A, %dma_start3A_11] : memref<32x80x128xi32, #tpu.memory_space<hbm>> -> memref<1x80x128xi32, #tpu.memory_space<hbm>>
      %dma_start3A_13 = tpu.memref_squeeze %dma_start3A_12 : memref<1x80x128xi32, #tpu.memory_space<hbm>> -> memref<80x128xi32, #tpu.memory_space<hbm>>
      %dma_start3A_14 = arith.constant 0 : i32
      %dma_start3A_15 = arith.constant 0 : i32
      %dma_start3A_16 = tpu.memref_slice %arg2[%add3A, %dma_start3A_14, %dma_start3A_15] : memref<32x80x128xi32, #tpu.memory_space<hbm>> -> memref<1x80x128xi32, #tpu.memory_space<hbm>>
      %dma_start3A_17 = tpu.memref_squeeze %dma_start3A_16 : memref<1x80x128xi32, #tpu.memory_space<hbm>> -> memref<80x128xi32, #tpu.memory_space<hbm>>
      tpu.enqueue_dma source(%dma_start3A_17 : memref<80x128xi32, #tpu.memory_space<hbm>>) target(%arg6 : memref<80x128xi32, #tpu.memory_space<vmem>>) target_semaphore(%run_scoped3A : memref<!tpu.dma_semaphore, #tpu.memory_space<semaphore_mem>>)
      %dma_wait3A = arith.constant 0 : i32
      %dma_wait3A_18 = arith.constant 0 : i32
      %dma_wait3A_19 = tpu.memref_slice %arg2[%add3A, %dma_wait3A, %dma_wait3A_18] : memref<32x80x128xi32, #tpu.memory_space<hbm>> -> memref<1x80x128xi32, #tpu.memory_space<hbm>>
      %dma_wait3A_20 = tpu.memref_squeeze %dma_wait3A_19 : memref<1x80x128xi32, #tpu.memory_space<hbm>> -> memref<80x128xi32, #tpu.memory_space<hbm>>
      %dma_wait3A_21 = arith.constant 0 : i32
      %dma_wait3A_22 = arith.constant 0 : i32
      %dma_wait3A_23 = tpu.memref_slice %arg2[%add3A, %dma_wait3A_21, %dma_wait3A_22] : memref<32x80x128xi32, #tpu.memory_space<hbm>> -> memref<1x80x128xi32, #tpu.memory_space<hbm>>
      %dma_wait3A_24 = tpu.memref_squeeze %dma_wait3A_23 : memref<1x80x128xi32, #tpu.memory_space<hbm>> -> memref<80x128xi32, #tpu.memory_space<hbm>>
      tpu.wait_dma2 semaphore(%run_scoped3A : memref<!tpu.dma_semaphore, #tpu.memory_space<semaphore_mem>>) src(%dma_wait3A_24 : memref<80x128xi32, #tpu.memory_space<hbm>>) dst(%arg6 : memref<80x128xi32, #tpu.memory_space<vmem>>)
      tpu.yield
    }) : () -> ()
    "tpu.region"() ({
      %run_scoped3A = tpu.sem_alloc : memref<!tpu.dma_semaphore, #tpu.memory_space<semaphore_mem>>
      tpu.enqueue_dma source(%arg3 : memref<128x128xf32, #tpu.memory_space<hbm>>) target(%arg7 : memref<128x128xf32, #tpu.memory_space<vmem>>) target_semaphore(%run_scoped3A : memref<!tpu.dma_semaphore, #tpu.memory_space<semaphore_mem>>)
      tpu.wait_dma2 semaphore(%run_scoped3A : memref<!tpu.dma_semaphore, #tpu.memory_space<semaphore_mem>>) src(%arg3 : memref<128x128xf32, #tpu.memory_space<hbm>>) dst(%arg7 : memref<128x128xf32, #tpu.memory_space<vmem>>)
      tpu.yield
    }) : () -> ()
    %mul3A_1 = arith.constant 640 : i32
    %mul3A_2 = arith.muli %arg1, %mul3A_1 : i32
    "tpu.region"() ({
      %run_scoped3A = tpu.sem_alloc : memref<!tpu.dma_semaphore, #tpu.memory_space<semaphore_mem>>
      %dma_start3A = arith.constant 0 : i32
      %dma_start3A_11 = tpu.memref_slice %arg8[%mul3A_2, %dma_start3A] : memref<10240x128xf32, #tpu.memory_space<vmem_shared>> -> memref<640x128xf32, #tpu.memory_space<vmem_shared>>
      tpu.enqueue_dma source(%arg4 : memref<640x128xf32, #tpu.memory_space<hbm>>) target(%dma_start3A_11 : memref<640x128xf32, #tpu.memory_space<vmem_shared>>) target_semaphore(%run_scoped3A : memref<!tpu.dma_semaphore, #tpu.memory_space<semaphore_mem>>)
      %dma_wait3A = arith.constant 0 : i32
      %dma_wait3A_12 = tpu.memref_slice %arg8[%mul3A_2, %dma_wait3A] : memref<10240x128xf32, #tpu.memory_space<vmem_shared>> -> memref<640x128xf32, #tpu.memory_space<vmem_shared>>
      tpu.wait_dma2 semaphore(%run_scoped3A : memref<!tpu.dma_semaphore, #tpu.memory_space<semaphore_mem>>) src(%arg4 : memref<640x128xf32, #tpu.memory_space<hbm>>) dst(%dma_wait3A_12 : memref<640x128xf32, #tpu.memory_space<vmem_shared>>)
      tpu.yield
    }) : () -> ()
    %barrier3A = arith.constant 0 : index
    tpu.barrier barrier_id(%barrier3A)
    %scan3A = arith.constant 0 : i32
    %scan3A_3 = arith.constant 0 : i32
    %scan3A_4 = arith.constant 80 : i32
    %scan3A_5 = arith.addi %scan3A_3, %scan3A_4 : i32
    %scan3A_6 = arith.constant 1 : i32
    scf.for %scan3A_11 = %scan3A_3 to %scan3A_5 step %scan3A_6  : i32 {
      "tpu.region"() ({
        %run_scoped3A = tpu.sem_alloc : memref<!tpu.dma_semaphore, #tpu.memory_space<semaphore_mem>>
        %dma_start3A = arith.constant 0 : i32
        %dma_start3A_12 = tpu.memref_slice %arg6[%scan3A_11, %dma_start3A] : memref<80x128xi32, #tpu.memory_space<vmem>> -> memref<1x128xi32, #tpu.memory_space<vmem>>
        %dma_start3A_13 = tpu.memref_squeeze %dma_start3A_12 : memref<1x128xi32, #tpu.memory_space<vmem>> -> memref<128xi32, #tpu.memory_space<vmem>>
        %dma_start3A_14 = arith.constant 0 : i32
        %dma_start3A_15 = arith.constant 0 : i32
        %dma_start3A_16 = tpu.memref_slice %arg8[%dma_start3A_14, %dma_start3A_15] : memref<10240x128xf32, #tpu.memory_space<vmem_shared>> -> memref<10240x128xf32, #tpu.memory_space<vmem_shared>>
        tpu.enqueue_indirect_dma source(%arg7 : memref<128x128xf32, #tpu.memory_space<vmem>>) target(%dma_start3A_16 : memref<10240x128xf32, #tpu.memory_space<vmem_shared>>) offsets(%dma_start3A_13 : memref<128xi32, #tpu.memory_space<vmem>>) semaphore(%run_scoped3A : memref<!tpu.dma_semaphore, #tpu.memory_space<semaphore_mem>>) {add = true}
        %dma_wait3A = arith.constant 0 : i32
        %dma_wait3A_17 = tpu.memref_slice %arg6[%scan3A_11, %dma_wait3A] : memref<80x128xi32, #tpu.memory_space<vmem>> -> memref<1x128xi32, #tpu.memory_space<vmem>>
        %dma_wait3A_18 = tpu.memref_squeeze %dma_wait3A_17 : memref<1x128xi32, #tpu.memory_space<vmem>> -> memref<128xi32, #tpu.memory_space<vmem>>
        %dma_wait3A_19 = arith.constant 0 : i32
        %dma_wait3A_20 = arith.constant 0 : i32
        %dma_wait3A_21 = tpu.memref_slice %arg8[%dma_wait3A_19, %dma_wait3A_20] : memref<10240x128xf32, #tpu.memory_space<vmem_shared>> -> memref<10240x128xf32, #tpu.memory_space<vmem_shared>>
        tpu.wait_indirect_dma semaphore(%run_scoped3A : memref<!tpu.dma_semaphore, #tpu.memory_space<semaphore_mem>>) src(%arg7 : memref<128x128xf32, #tpu.memory_space<vmem>>) dst(%dma_wait3A_21 : memref<10240x128xf32, #tpu.memory_space<vmem_shared>>)
        tpu.yield
      }) : () -> ()
    }
    %scan3A_7 = arith.constant 80 : i32
    %barrier3A_8 = arith.constant 0 : index
    tpu.barrier barrier_id(%barrier3A_8)
    %mul3A_9 = arith.constant 640 : i32
    %mul3A_10 = arith.muli %arg1, %mul3A_9 : i32
    "tpu.region"() ({
      %run_scoped3A = tpu.sem_alloc : memref<!tpu.dma_semaphore, #tpu.memory_space<semaphore_mem>>
      %dma_start3A = arith.constant 0 : i32
      %dma_start3A_11 = tpu.memref_slice %arg5[%arg0, %mul3A_10, %dma_start3A] : memref<2x10240x128xf32, #tpu.memory_space<hbm>> -> memref<1x640x128xf32, #tpu.memory_space<hbm>>
      %dma_start3A_12 = tpu.memref_squeeze %dma_start3A_11 : memref<1x640x128xf32, #tpu.memory_space<hbm>> -> memref<640x128xf32, #tpu.memory_space<hbm>>
      %dma_start3A_13 = arith.constant 0 : i32
      %dma_start3A_14 = tpu.memref_slice %arg8[%mul3A_10, %dma_start3A_13] : memref<10240x128xf32, #tpu.memory_space<vmem_shared>> -> memref<640x128xf32, #tpu.memory_space<vmem_shared>>
      tpu.enqueue_dma source(%dma_start3A_14 : memref<640x128xf32, #tpu.memory_space<vmem_shared>>) target(%dma_start3A_12 : memref<640x128xf32, #tpu.memory_space<hbm>>) target_semaphore(%run_scoped3A : memref<!tpu.dma_semaphore, #tpu.memory_space<semaphore_mem>>)
      %dma_wait3A = arith.constant 0 : i32
      %dma_wait3A_15 = tpu.memref_slice %arg5[%arg0, %mul3A_10, %dma_wait3A] : memref<2x10240x128xf32, #tpu.memory_space<hbm>> -> memref<1x640x128xf32, #tpu.memory_space<hbm>>
      %dma_wait3A_16 = tpu.memref_squeeze %dma_wait3A_15 : memref<1x640x128xf32, #tpu.memory_space<hbm>> -> memref<640x128xf32, #tpu.memory_space<hbm>>
      %dma_wait3A_17 = arith.constant 0 : i32
      %dma_wait3A_18 = tpu.memref_slice %arg8[%mul3A_10, %dma_wait3A_17] : memref<10240x128xf32, #tpu.memory_space<vmem_shared>> -> memref<640x128xf32, #tpu.memory_space<vmem_shared>>
      tpu.wait_dma2 semaphore(%run_scoped3A : memref<!tpu.dma_semaphore, #tpu.memory_space<semaphore_mem>>) src(%dma_wait3A_18 : memref<640x128xf32, #tpu.memory_space<vmem_shared>>) dst(%dma_wait3A_16 : memref<640x128xf32, #tpu.memory_space<hbm>>)
      tpu.yield
    }) : () -> ()
    return
  }
}

#map = affine_map<(d0, d1) -> (0, 0)>
#map1 = affine_map<(d0, d1) -> (0, 0, 0)>
module attributes {stable_mosaic.version = 14 : i64} {
  func.func @_agg_kernel(%arg0: i32, %arg1: i32, %arg2: memref<10240x128xf32, #tpu.memory_space<hbm>>, %arg3: memref<32x80x128xi32, #tpu.memory_space<hbm>>, %arg4: memref<32x80x128xi32, #tpu.memory_space<hbm>>, %arg5: memref<640x128xf32, #tpu.memory_space<hbm>>, %arg6: memref<2x10240x128xf32, #tpu.memory_space<hbm>>, %arg7: memref<40x128xi32, #tpu.memory_space<vmem>>, %arg8: memref<40x128xi32, #tpu.memory_space<vmem>>, %arg9: memref<128x128xf32, #tpu.memory_space<vmem>>, %arg10: memref<128x128xf32, #tpu.memory_space<vmem>>, %arg11: memref<10240x128xf32, #tpu.memory_space<vmem_shared>>, %arg12: memref<!tpu.dma_semaphore, #tpu.memory_space<semaphore_mem>>, %arg13: memref<!tpu.dma_semaphore, #tpu.memory_space<semaphore_mem>>) attributes {dimension_semantics = [#tpu.dimension_semantics<core_parallel>, #tpu.dimension_semantics<subcore_parallel>], iteration_bounds = array<i64: 2, 16>, scalar_prefetch = 0 : i64, scratch_operands = 7 : i64, tpu.core_type = #tpu.core_type<sc_vector_subcore>, window_params = [{transform_indices = #map}, {transform_indices = #map1}, {transform_indices = #map1}, {transform_indices = #map}, {transform_indices = #map1}]} {
    %mul3A = arith.constant 16 : i32
    %mul3A_0 = arith.muli %arg0, %mul3A : i32
    %add3A = arith.addi %mul3A_0, %arg1 : i32
    %mul3A_1 = arith.constant 640 : i32
    %mul3A_2 = arith.muli %arg1, %mul3A_1 : i32
    "tpu.region"() ({
      %run_scoped3A = tpu.sem_alloc : memref<!tpu.dma_semaphore, #tpu.memory_space<semaphore_mem>>
      %dma_start3A_30 = arith.constant 0 : i32
      %dma_start3A_31 = tpu.memref_slice %arg11[%mul3A_2, %dma_start3A_30] : memref<10240x128xf32, #tpu.memory_space<vmem_shared>> -> memref<640x128xf32, #tpu.memory_space<vmem_shared>>
      tpu.enqueue_dma source(%arg5 : memref<640x128xf32, #tpu.memory_space<hbm>>) target(%dma_start3A_31 : memref<640x128xf32, #tpu.memory_space<vmem_shared>>) target_semaphore(%run_scoped3A : memref<!tpu.dma_semaphore, #tpu.memory_space<semaphore_mem>>)
      %dma_wait3A = arith.constant 0 : i32
      %dma_wait3A_32 = tpu.memref_slice %arg11[%mul3A_2, %dma_wait3A] : memref<10240x128xf32, #tpu.memory_space<vmem_shared>> -> memref<640x128xf32, #tpu.memory_space<vmem_shared>>
      tpu.wait_dma2 semaphore(%run_scoped3A : memref<!tpu.dma_semaphore, #tpu.memory_space<semaphore_mem>>) src(%arg5 : memref<640x128xf32, #tpu.memory_space<hbm>>) dst(%dma_wait3A_32 : memref<640x128xf32, #tpu.memory_space<vmem_shared>>)
      tpu.yield
    }) : () -> ()
    %barrier3A = arith.constant 0 : index
    tpu.barrier barrier_id(%barrier3A)
    "tpu.region"() ({
      %run_scoped3A = tpu.sem_alloc : memref<!tpu.dma_semaphore, #tpu.memory_space<semaphore_mem>>
      %dma_start3A_30 = arith.constant 0 : i32
      %dma_start3A_31 = arith.constant 0 : i32
      %dma_start3A_32 = tpu.memref_slice %arg3[%add3A, %dma_start3A_30, %dma_start3A_31] : memref<32x80x128xi32, #tpu.memory_space<hbm>> -> memref<1x40x128xi32, #tpu.memory_space<hbm>>
      %dma_start3A_33 = tpu.memref_squeeze %dma_start3A_32 : memref<1x40x128xi32, #tpu.memory_space<hbm>> -> memref<40x128xi32, #tpu.memory_space<hbm>>
      %dma_start3A_34 = arith.constant 0 : i32
      %dma_start3A_35 = arith.constant 0 : i32
      %dma_start3A_36 = tpu.memref_slice %arg3[%add3A, %dma_start3A_34, %dma_start3A_35] : memref<32x80x128xi32, #tpu.memory_space<hbm>> -> memref<1x40x128xi32, #tpu.memory_space<hbm>>
      %dma_start3A_37 = tpu.memref_squeeze %dma_start3A_36 : memref<1x40x128xi32, #tpu.memory_space<hbm>> -> memref<40x128xi32, #tpu.memory_space<hbm>>
      tpu.enqueue_dma source(%dma_start3A_37 : memref<40x128xi32, #tpu.memory_space<hbm>>) target(%arg7 : memref<40x128xi32, #tpu.memory_space<vmem>>) target_semaphore(%run_scoped3A : memref<!tpu.dma_semaphore, #tpu.memory_space<semaphore_mem>>)
      %dma_wait3A = arith.constant 0 : i32
      %dma_wait3A_38 = arith.constant 0 : i32
      %dma_wait3A_39 = tpu.memref_slice %arg3[%add3A, %dma_wait3A, %dma_wait3A_38] : memref<32x80x128xi32, #tpu.memory_space<hbm>> -> memref<1x40x128xi32, #tpu.memory_space<hbm>>
      %dma_wait3A_40 = tpu.memref_squeeze %dma_wait3A_39 : memref<1x40x128xi32, #tpu.memory_space<hbm>> -> memref<40x128xi32, #tpu.memory_space<hbm>>
      %dma_wait3A_41 = arith.constant 0 : i32
      %dma_wait3A_42 = arith.constant 0 : i32
      %dma_wait3A_43 = tpu.memref_slice %arg3[%add3A, %dma_wait3A_41, %dma_wait3A_42] : memref<32x80x128xi32, #tpu.memory_space<hbm>> -> memref<1x40x128xi32, #tpu.memory_space<hbm>>
      %dma_wait3A_44 = tpu.memref_squeeze %dma_wait3A_43 : memref<1x40x128xi32, #tpu.memory_space<hbm>> -> memref<40x128xi32, #tpu.memory_space<hbm>>
      tpu.wait_dma2 semaphore(%run_scoped3A : memref<!tpu.dma_semaphore, #tpu.memory_space<semaphore_mem>>) src(%dma_wait3A_44 : memref<40x128xi32, #tpu.memory_space<hbm>>) dst(%arg7 : memref<40x128xi32, #tpu.memory_space<vmem>>)
      tpu.yield
    }) : () -> ()
    "tpu.region"() ({
      %run_scoped3A = tpu.sem_alloc : memref<!tpu.dma_semaphore, #tpu.memory_space<semaphore_mem>>
      %dma_start3A_30 = arith.constant 0 : i32
      %dma_start3A_31 = arith.constant 0 : i32
      %dma_start3A_32 = tpu.memref_slice %arg4[%add3A, %dma_start3A_30, %dma_start3A_31] : memref<32x80x128xi32, #tpu.memory_space<hbm>> -> memref<1x40x128xi32, #tpu.memory_space<hbm>>
      %dma_start3A_33 = tpu.memref_squeeze %dma_start3A_32 : memref<1x40x128xi32, #tpu.memory_space<hbm>> -> memref<40x128xi32, #tpu.memory_space<hbm>>
      %dma_start3A_34 = arith.constant 0 : i32
      %dma_start3A_35 = arith.constant 0 : i32
      %dma_start3A_36 = tpu.memref_slice %arg4[%add3A, %dma_start3A_34, %dma_start3A_35] : memref<32x80x128xi32, #tpu.memory_space<hbm>> -> memref<1x40x128xi32, #tpu.memory_space<hbm>>
      %dma_start3A_37 = tpu.memref_squeeze %dma_start3A_36 : memref<1x40x128xi32, #tpu.memory_space<hbm>> -> memref<40x128xi32, #tpu.memory_space<hbm>>
      tpu.enqueue_dma source(%dma_start3A_37 : memref<40x128xi32, #tpu.memory_space<hbm>>) target(%arg8 : memref<40x128xi32, #tpu.memory_space<vmem>>) target_semaphore(%run_scoped3A : memref<!tpu.dma_semaphore, #tpu.memory_space<semaphore_mem>>)
      %dma_wait3A = arith.constant 0 : i32
      %dma_wait3A_38 = arith.constant 0 : i32
      %dma_wait3A_39 = tpu.memref_slice %arg4[%add3A, %dma_wait3A, %dma_wait3A_38] : memref<32x80x128xi32, #tpu.memory_space<hbm>> -> memref<1x40x128xi32, #tpu.memory_space<hbm>>
      %dma_wait3A_40 = tpu.memref_squeeze %dma_wait3A_39 : memref<1x40x128xi32, #tpu.memory_space<hbm>> -> memref<40x128xi32, #tpu.memory_space<hbm>>
      %dma_wait3A_41 = arith.constant 0 : i32
      %dma_wait3A_42 = arith.constant 0 : i32
      %dma_wait3A_43 = tpu.memref_slice %arg4[%add3A, %dma_wait3A_41, %dma_wait3A_42] : memref<32x80x128xi32, #tpu.memory_space<hbm>> -> memref<1x40x128xi32, #tpu.memory_space<hbm>>
      %dma_wait3A_44 = tpu.memref_squeeze %dma_wait3A_43 : memref<1x40x128xi32, #tpu.memory_space<hbm>> -> memref<40x128xi32, #tpu.memory_space<hbm>>
      tpu.wait_dma2 semaphore(%run_scoped3A : memref<!tpu.dma_semaphore, #tpu.memory_space<semaphore_mem>>) src(%dma_wait3A_44 : memref<40x128xi32, #tpu.memory_space<hbm>>) dst(%arg8 : memref<40x128xi32, #tpu.memory_space<vmem>>)
      tpu.yield
    }) : () -> ()
    %dma_start3A = arith.constant 0 : i32
    %dma_start3A_3 = arith.constant 0 : i32
    %dma_start3A_4 = tpu.memref_slice %arg7[%dma_start3A, %dma_start3A_3] : memref<40x128xi32, #tpu.memory_space<vmem>> -> memref<1x128xi32, #tpu.memory_space<vmem>>
    %dma_start3A_5 = tpu.memref_squeeze %dma_start3A_4 : memref<1x128xi32, #tpu.memory_space<vmem>> -> memref<128xi32, #tpu.memory_space<vmem>>
    %dma_start3A_6 = arith.constant 0 : i32
    %dma_start3A_7 = arith.constant 0 : i32
    %dma_start3A_8 = tpu.memref_slice %arg2[%dma_start3A_6, %dma_start3A_7] : memref<10240x128xf32, #tpu.memory_space<hbm>> -> memref<10240x128xf32, #tpu.memory_space<hbm>>
    tpu.enqueue_indirect_dma source(%dma_start3A_8 : memref<10240x128xf32, #tpu.memory_space<hbm>>) target(%arg9 : memref<128x128xf32, #tpu.memory_space<vmem>>) offsets(%dma_start3A_5 : memref<128xi32, #tpu.memory_space<vmem>>) semaphore(%arg12 : memref<!tpu.dma_semaphore, #tpu.memory_space<semaphore_mem>>)
    %scan3A = arith.constant 0 : i32
    %scan3A_9 = arith.constant 0 : i32
    %scan3A_10 = arith.constant 20 : i32
    %scan3A_11 = arith.addi %scan3A_9, %scan3A_10 : i32
    %scan3A_12 = arith.constant 1 : i32
    scf.for %scan3A_30 = %scan3A_9 to %scan3A_11 step %scan3A_12  : i32 {
      %mul3A_31 = arith.constant 2 : i32
      %mul3A_32 = arith.muli %mul3A_31, %scan3A_30 : i32
      %add3A_33 = arith.constant 1 : i32
      %add3A_34 = arith.addi %mul3A_32, %add3A_33 : i32
      %dma_start3A_35 = arith.constant 0 : i32
      %dma_start3A_36 = tpu.memref_slice %arg7[%add3A_34, %dma_start3A_35] : memref<40x128xi32, #tpu.memory_space<vmem>> -> memref<1x128xi32, #tpu.memory_space<vmem>>
      %dma_start3A_37 = tpu.memref_squeeze %dma_start3A_36 : memref<1x128xi32, #tpu.memory_space<vmem>> -> memref<128xi32, #tpu.memory_space<vmem>>
      %dma_start3A_38 = arith.constant 0 : i32
      %dma_start3A_39 = arith.constant 0 : i32
      %dma_start3A_40 = tpu.memref_slice %arg2[%dma_start3A_38, %dma_start3A_39] : memref<10240x128xf32, #tpu.memory_space<hbm>> -> memref<10240x128xf32, #tpu.memory_space<hbm>>
      tpu.enqueue_indirect_dma source(%dma_start3A_40 : memref<10240x128xf32, #tpu.memory_space<hbm>>) target(%arg10 : memref<128x128xf32, #tpu.memory_space<vmem>>) offsets(%dma_start3A_37 : memref<128xi32, #tpu.memory_space<vmem>>) semaphore(%arg13 : memref<!tpu.dma_semaphore, #tpu.memory_space<semaphore_mem>>)
      %dma_wait3A = arith.constant 0 : i32
      %dma_wait3A_41 = tpu.memref_slice %arg7[%mul3A_32, %dma_wait3A] : memref<40x128xi32, #tpu.memory_space<vmem>> -> memref<1x128xi32, #tpu.memory_space<vmem>>
      %dma_wait3A_42 = tpu.memref_squeeze %dma_wait3A_41 : memref<1x128xi32, #tpu.memory_space<vmem>> -> memref<128xi32, #tpu.memory_space<vmem>>
      %dma_wait3A_43 = arith.constant 0 : i32
      %dma_wait3A_44 = arith.constant 0 : i32
      %dma_wait3A_45 = tpu.memref_slice %arg2[%dma_wait3A_43, %dma_wait3A_44] : memref<10240x128xf32, #tpu.memory_space<hbm>> -> memref<10240x128xf32, #tpu.memory_space<hbm>>
      tpu.wait_indirect_dma semaphore(%arg12 : memref<!tpu.dma_semaphore, #tpu.memory_space<semaphore_mem>>) src(%dma_wait3A_45 : memref<10240x128xf32, #tpu.memory_space<hbm>>) dst(%arg9 : memref<128x128xf32, #tpu.memory_space<vmem>>)
      "tpu.region"() ({
        %run_scoped3A = tpu.sem_alloc : memref<!tpu.dma_semaphore, #tpu.memory_space<semaphore_mem>>
        %dma_start3A_60 = arith.constant 0 : i32
        %dma_start3A_61 = tpu.memref_slice %arg8[%mul3A_32, %dma_start3A_60] : memref<40x128xi32, #tpu.memory_space<vmem>> -> memref<1x128xi32, #tpu.memory_space<vmem>>
        %dma_start3A_62 = tpu.memref_squeeze %dma_start3A_61 : memref<1x128xi32, #tpu.memory_space<vmem>> -> memref<128xi32, #tpu.memory_space<vmem>>
        %dma_start3A_63 = arith.constant 0 : i32
        %dma_start3A_64 = arith.constant 0 : i32
        %dma_start3A_65 = tpu.memref_slice %arg11[%dma_start3A_63, %dma_start3A_64] : memref<10240x128xf32, #tpu.memory_space<vmem_shared>> -> memref<10240x128xf32, #tpu.memory_space<vmem_shared>>
        tpu.enqueue_indirect_dma source(%arg9 : memref<128x128xf32, #tpu.memory_space<vmem>>) target(%dma_start3A_65 : memref<10240x128xf32, #tpu.memory_space<vmem_shared>>) offsets(%dma_start3A_62 : memref<128xi32, #tpu.memory_space<vmem>>) semaphore(%run_scoped3A : memref<!tpu.dma_semaphore, #tpu.memory_space<semaphore_mem>>) {add = true}
        %dma_wait3A_66 = arith.constant 0 : i32
        %dma_wait3A_67 = tpu.memref_slice %arg8[%mul3A_32, %dma_wait3A_66] : memref<40x128xi32, #tpu.memory_space<vmem>> -> memref<1x128xi32, #tpu.memory_space<vmem>>
        %dma_wait3A_68 = tpu.memref_squeeze %dma_wait3A_67 : memref<1x128xi32, #tpu.memory_space<vmem>> -> memref<128xi32, #tpu.memory_space<vmem>>
        %dma_wait3A_69 = arith.constant 0 : i32
        %dma_wait3A_70 = arith.constant 0 : i32
        %dma_wait3A_71 = tpu.memref_slice %arg11[%dma_wait3A_69, %dma_wait3A_70] : memref<10240x128xf32, #tpu.memory_space<vmem_shared>> -> memref<10240x128xf32, #tpu.memory_space<vmem_shared>>
        tpu.wait_indirect_dma semaphore(%run_scoped3A : memref<!tpu.dma_semaphore, #tpu.memory_space<semaphore_mem>>) src(%arg9 : memref<128x128xf32, #tpu.memory_space<vmem>>) dst(%dma_wait3A_71 : memref<10240x128xf32, #tpu.memory_space<vmem_shared>>)
        tpu.yield
      }) : () -> ()
      %add3A_46 = arith.constant 1 : i32
      %add3A_47 = arith.addi %scan3A_30, %add3A_46 : i32
      %lt3A = arith.constant 20 : i32
      %lt3A_48 = arith.cmpi slt, %add3A_47, %lt3A : i32
      %convert_element_type3A = arith.extui %lt3A_48 : i1 to i32
      %cond3A = arith.constant 0 : i32
      %cond3A_49 = arith.cmpi ne, %convert_element_type3A, %cond3A : i32
      scf.if %cond3A_49 {
        %add3A_60 = arith.constant 2 : i32
        %add3A_61 = arith.addi %mul3A_32, %add3A_60 : i32
        %dma_start3A_62 = arith.constant 0 : i32
        %dma_start3A_63 = tpu.memref_slice %arg7[%add3A_61, %dma_start3A_62] : memref<40x128xi32, #tpu.memory_space<vmem>> -> memref<1x128xi32, #tpu.memory_space<vmem>>
        %dma_start3A_64 = tpu.memref_squeeze %dma_start3A_63 : memref<1x128xi32, #tpu.memory_space<vmem>> -> memref<128xi32, #tpu.memory_space<vmem>>
        %dma_start3A_65 = arith.constant 0 : i32
        %dma_start3A_66 = arith.constant 0 : i32
        %dma_start3A_67 = tpu.memref_slice %arg2[%dma_start3A_65, %dma_start3A_66] : memref<10240x128xf32, #tpu.memory_space<hbm>> -> memref<10240x128xf32, #tpu.memory_space<hbm>>
        tpu.enqueue_indirect_dma source(%dma_start3A_67 : memref<10240x128xf32, #tpu.memory_space<hbm>>) target(%arg9 : memref<128x128xf32, #tpu.memory_space<vmem>>) offsets(%dma_start3A_64 : memref<128xi32, #tpu.memory_space<vmem>>) semaphore(%arg12 : memref<!tpu.dma_semaphore, #tpu.memory_space<semaphore_mem>>)
      } else {
      }
      %add3A_50 = arith.constant 1 : i32
      %add3A_51 = arith.addi %mul3A_32, %add3A_50 : i32
      %dma_wait3A_52 = arith.constant 0 : i32
      %dma_wait3A_53 = tpu.memref_slice %arg7[%add3A_51, %dma_wait3A_52] : memref<40x128xi32, #tpu.memory_space<vmem>> -> memref<1x128xi32, #tpu.memory_space<vmem>>
      %dma_wait3A_54 = tpu.memref_squeeze %dma_wait3A_53 : memref<1x128xi32, #tpu.memory_space<vmem>> -> memref<128xi32, #tpu.memory_space<vmem>>
      %dma_wait3A_55 = arith.constant 0 : i32
      %dma_wait3A_56 = arith.constant 0 : i32
      %dma_wait3A_57 = tpu.memref_slice %arg2[%dma_wait3A_55, %dma_wait3A_56] : memref<10240x128xf32, #tpu.memory_space<hbm>> -> memref<10240x128xf32, #tpu.memory_space<hbm>>
      tpu.wait_indirect_dma semaphore(%arg13 : memref<!tpu.dma_semaphore, #tpu.memory_space<semaphore_mem>>) src(%dma_wait3A_57 : memref<10240x128xf32, #tpu.memory_space<hbm>>) dst(%arg10 : memref<128x128xf32, #tpu.memory_space<vmem>>)
      %add3A_58 = arith.constant 1 : i32
      %add3A_59 = arith.addi %mul3A_32, %add3A_58 : i32
      "tpu.region"() ({
        %run_scoped3A = tpu.sem_alloc : memref<!tpu.dma_semaphore, #tpu.memory_space<semaphore_mem>>
        %dma_start3A_60 = arith.constant 0 : i32
        %dma_start3A_61 = tpu.memref_slice %arg8[%add3A_59, %dma_start3A_60] : memref<40x128xi32, #tpu.memory_space<vmem>> -> memref<1x128xi32, #tpu.memory_space<vmem>>
        %dma_start3A_62 = tpu.memref_squeeze %dma_start3A_61 : memref<1x128xi32, #tpu.memory_space<vmem>> -> memref<128xi32, #tpu.memory_space<vmem>>
        %dma_start3A_63 = arith.constant 0 : i32
        %dma_start3A_64 = arith.constant 0 : i32
        %dma_start3A_65 = tpu.memref_slice %arg11[%dma_start3A_63, %dma_start3A_64] : memref<10240x128xf32, #tpu.memory_space<vmem_shared>> -> memref<10240x128xf32, #tpu.memory_space<vmem_shared>>
        tpu.enqueue_indirect_dma source(%arg10 : memref<128x128xf32, #tpu.memory_space<vmem>>) target(%dma_start3A_65 : memref<10240x128xf32, #tpu.memory_space<vmem_shared>>) offsets(%dma_start3A_62 : memref<128xi32, #tpu.memory_space<vmem>>) semaphore(%run_scoped3A : memref<!tpu.dma_semaphore, #tpu.memory_space<semaphore_mem>>) {add = true}
        %dma_wait3A_66 = arith.constant 0 : i32
        %dma_wait3A_67 = tpu.memref_slice %arg8[%add3A_59, %dma_wait3A_66] : memref<40x128xi32, #tpu.memory_space<vmem>> -> memref<1x128xi32, #tpu.memory_space<vmem>>
        %dma_wait3A_68 = tpu.memref_squeeze %dma_wait3A_67 : memref<1x128xi32, #tpu.memory_space<vmem>> -> memref<128xi32, #tpu.memory_space<vmem>>
        %dma_wait3A_69 = arith.constant 0 : i32
        %dma_wait3A_70 = arith.constant 0 : i32
        %dma_wait3A_71 = tpu.memref_slice %arg11[%dma_wait3A_69, %dma_wait3A_70] : memref<10240x128xf32, #tpu.memory_space<vmem_shared>> -> memref<10240x128xf32, #tpu.memory_space<vmem_shared>>
        tpu.wait_indirect_dma semaphore(%run_scoped3A : memref<!tpu.dma_semaphore, #tpu.memory_space<semaphore_mem>>) src(%arg10 : memref<128x128xf32, #tpu.memory_space<vmem>>) dst(%dma_wait3A_71 : memref<10240x128xf32, #tpu.memory_space<vmem_shared>>)
        tpu.yield
      }) : () -> ()
    }
    %scan3A_13 = arith.constant 20 : i32
    "tpu.region"() ({
      %run_scoped3A = tpu.sem_alloc : memref<!tpu.dma_semaphore, #tpu.memory_space<semaphore_mem>>
      %dma_start3A_30 = arith.constant 40 : i32
      %dma_start3A_31 = arith.constant 0 : i32
      %dma_start3A_32 = tpu.memref_slice %arg3[%add3A, %dma_start3A_30, %dma_start3A_31] : memref<32x80x128xi32, #tpu.memory_space<hbm>> -> memref<1x40x128xi32, #tpu.memory_space<hbm>>
      %dma_start3A_33 = tpu.memref_squeeze %dma_start3A_32 : memref<1x40x128xi32, #tpu.memory_space<hbm>> -> memref<40x128xi32, #tpu.memory_space<hbm>>
      %dma_start3A_34 = arith.constant 40 : i32
      %dma_start3A_35 = arith.constant 0 : i32
      %dma_start3A_36 = tpu.memref_slice %arg3[%add3A, %dma_start3A_34, %dma_start3A_35] : memref<32x80x128xi32, #tpu.memory_space<hbm>> -> memref<1x40x128xi32, #tpu.memory_space<hbm>>
      %dma_start3A_37 = tpu.memref_squeeze %dma_start3A_36 : memref<1x40x128xi32, #tpu.memory_space<hbm>> -> memref<40x128xi32, #tpu.memory_space<hbm>>
      tpu.enqueue_dma source(%dma_start3A_37 : memref<40x128xi32, #tpu.memory_space<hbm>>) target(%arg7 : memref<40x128xi32, #tpu.memory_space<vmem>>) target_semaphore(%run_scoped3A : memref<!tpu.dma_semaphore, #tpu.memory_space<semaphore_mem>>)
      %dma_wait3A = arith.constant 40 : i32
      %dma_wait3A_38 = arith.constant 0 : i32
      %dma_wait3A_39 = tpu.memref_slice %arg3[%add3A, %dma_wait3A, %dma_wait3A_38] : memref<32x80x128xi32, #tpu.memory_space<hbm>> -> memref<1x40x128xi32, #tpu.memory_space<hbm>>
      %dma_wait3A_40 = tpu.memref_squeeze %dma_wait3A_39 : memref<1x40x128xi32, #tpu.memory_space<hbm>> -> memref<40x128xi32, #tpu.memory_space<hbm>>
      %dma_wait3A_41 = arith.constant 40 : i32
      %dma_wait3A_42 = arith.constant 0 : i32
      %dma_wait3A_43 = tpu.memref_slice %arg3[%add3A, %dma_wait3A_41, %dma_wait3A_42] : memref<32x80x128xi32, #tpu.memory_space<hbm>> -> memref<1x40x128xi32, #tpu.memory_space<hbm>>
      %dma_wait3A_44 = tpu.memref_squeeze %dma_wait3A_43 : memref<1x40x128xi32, #tpu.memory_space<hbm>> -> memref<40x128xi32, #tpu.memory_space<hbm>>
      tpu.wait_dma2 semaphore(%run_scoped3A : memref<!tpu.dma_semaphore, #tpu.memory_space<semaphore_mem>>) src(%dma_wait3A_44 : memref<40x128xi32, #tpu.memory_space<hbm>>) dst(%arg7 : memref<40x128xi32, #tpu.memory_space<vmem>>)
      tpu.yield
    }) : () -> ()
    "tpu.region"() ({
      %run_scoped3A = tpu.sem_alloc : memref<!tpu.dma_semaphore, #tpu.memory_space<semaphore_mem>>
      %dma_start3A_30 = arith.constant 40 : i32
      %dma_start3A_31 = arith.constant 0 : i32
      %dma_start3A_32 = tpu.memref_slice %arg4[%add3A, %dma_start3A_30, %dma_start3A_31] : memref<32x80x128xi32, #tpu.memory_space<hbm>> -> memref<1x40x128xi32, #tpu.memory_space<hbm>>
      %dma_start3A_33 = tpu.memref_squeeze %dma_start3A_32 : memref<1x40x128xi32, #tpu.memory_space<hbm>> -> memref<40x128xi32, #tpu.memory_space<hbm>>
      %dma_start3A_34 = arith.constant 40 : i32
      %dma_start3A_35 = arith.constant 0 : i32
      %dma_start3A_36 = tpu.memref_slice %arg4[%add3A, %dma_start3A_34, %dma_start3A_35] : memref<32x80x128xi32, #tpu.memory_space<hbm>> -> memref<1x40x128xi32, #tpu.memory_space<hbm>>
      %dma_start3A_37 = tpu.memref_squeeze %dma_start3A_36 : memref<1x40x128xi32, #tpu.memory_space<hbm>> -> memref<40x128xi32, #tpu.memory_space<hbm>>
      tpu.enqueue_dma source(%dma_start3A_37 : memref<40x128xi32, #tpu.memory_space<hbm>>) target(%arg8 : memref<40x128xi32, #tpu.memory_space<vmem>>) target_semaphore(%run_scoped3A : memref<!tpu.dma_semaphore, #tpu.memory_space<semaphore_mem>>)
      %dma_wait3A = arith.constant 40 : i32
      %dma_wait3A_38 = arith.constant 0 : i32
      %dma_wait3A_39 = tpu.memref_slice %arg4[%add3A, %dma_wait3A, %dma_wait3A_38] : memref<32x80x128xi32, #tpu.memory_space<hbm>> -> memref<1x40x128xi32, #tpu.memory_space<hbm>>
      %dma_wait3A_40 = tpu.memref_squeeze %dma_wait3A_39 : memref<1x40x128xi32, #tpu.memory_space<hbm>> -> memref<40x128xi32, #tpu.memory_space<hbm>>
      %dma_wait3A_41 = arith.constant 40 : i32
      %dma_wait3A_42 = arith.constant 0 : i32
      %dma_wait3A_43 = tpu.memref_slice %arg4[%add3A, %dma_wait3A_41, %dma_wait3A_42] : memref<32x80x128xi32, #tpu.memory_space<hbm>> -> memref<1x40x128xi32, #tpu.memory_space<hbm>>
      %dma_wait3A_44 = tpu.memref_squeeze %dma_wait3A_43 : memref<1x40x128xi32, #tpu.memory_space<hbm>> -> memref<40x128xi32, #tpu.memory_space<hbm>>
      tpu.wait_dma2 semaphore(%run_scoped3A : memref<!tpu.dma_semaphore, #tpu.memory_space<semaphore_mem>>) src(%dma_wait3A_44 : memref<40x128xi32, #tpu.memory_space<hbm>>) dst(%arg8 : memref<40x128xi32, #tpu.memory_space<vmem>>)
      tpu.yield
    }) : () -> ()
    %dma_start3A_14 = arith.constant 0 : i32
    %dma_start3A_15 = arith.constant 0 : i32
    %dma_start3A_16 = tpu.memref_slice %arg7[%dma_start3A_14, %dma_start3A_15] : memref<40x128xi32, #tpu.memory_space<vmem>> -> memref<1x128xi32, #tpu.memory_space<vmem>>
    %dma_start3A_17 = tpu.memref_squeeze %dma_start3A_16 : memref<1x128xi32, #tpu.memory_space<vmem>> -> memref<128xi32, #tpu.memory_space<vmem>>
    %dma_start3A_18 = arith.constant 0 : i32
    %dma_start3A_19 = arith.constant 0 : i32
    %dma_start3A_20 = tpu.memref_slice %arg2[%dma_start3A_18, %dma_start3A_19] : memref<10240x128xf32, #tpu.memory_space<hbm>> -> memref<10240x128xf32, #tpu.memory_space<hbm>>
    tpu.enqueue_indirect_dma source(%dma_start3A_20 : memref<10240x128xf32, #tpu.memory_space<hbm>>) target(%arg9 : memref<128x128xf32, #tpu.memory_space<vmem>>) offsets(%dma_start3A_17 : memref<128xi32, #tpu.memory_space<vmem>>) semaphore(%arg12 : memref<!tpu.dma_semaphore, #tpu.memory_space<semaphore_mem>>)
    %scan3A_21 = arith.constant 0 : i32
    %scan3A_22 = arith.constant 0 : i32
    %scan3A_23 = arith.constant 20 : i32
    %scan3A_24 = arith.addi %scan3A_22, %scan3A_23 : i32
    %scan3A_25 = arith.constant 1 : i32
    scf.for %scan3A_30 = %scan3A_22 to %scan3A_24 step %scan3A_25  : i32 {
      %mul3A_31 = arith.constant 2 : i32
      %mul3A_32 = arith.muli %mul3A_31, %scan3A_30 : i32
      %add3A_33 = arith.constant 1 : i32
      %add3A_34 = arith.addi %mul3A_32, %add3A_33 : i32
      %dma_start3A_35 = arith.constant 0 : i32
      %dma_start3A_36 = tpu.memref_slice %arg7[%add3A_34, %dma_start3A_35] : memref<40x128xi32, #tpu.memory_space<vmem>> -> memref<1x128xi32, #tpu.memory_space<vmem>>
      %dma_start3A_37 = tpu.memref_squeeze %dma_start3A_36 : memref<1x128xi32, #tpu.memory_space<vmem>> -> memref<128xi32, #tpu.memory_space<vmem>>
      %dma_start3A_38 = arith.constant 0 : i32
      %dma_start3A_39 = arith.constant 0 : i32
      %dma_start3A_40 = tpu.memref_slice %arg2[%dma_start3A_38, %dma_start3A_39] : memref<10240x128xf32, #tpu.memory_space<hbm>> -> memref<10240x128xf32, #tpu.memory_space<hbm>>
      tpu.enqueue_indirect_dma source(%dma_start3A_40 : memref<10240x128xf32, #tpu.memory_space<hbm>>) target(%arg10 : memref<128x128xf32, #tpu.memory_space<vmem>>) offsets(%dma_start3A_37 : memref<128xi32, #tpu.memory_space<vmem>>) semaphore(%arg13 : memref<!tpu.dma_semaphore, #tpu.memory_space<semaphore_mem>>)
      %dma_wait3A = arith.constant 0 : i32
      %dma_wait3A_41 = tpu.memref_slice %arg7[%mul3A_32, %dma_wait3A] : memref<40x128xi32, #tpu.memory_space<vmem>> -> memref<1x128xi32, #tpu.memory_space<vmem>>
      %dma_wait3A_42 = tpu.memref_squeeze %dma_wait3A_41 : memref<1x128xi32, #tpu.memory_space<vmem>> -> memref<128xi32, #tpu.memory_space<vmem>>
      %dma_wait3A_43 = arith.constant 0 : i32
      %dma_wait3A_44 = arith.constant 0 : i32
      %dma_wait3A_45 = tpu.memref_slice %arg2[%dma_wait3A_43, %dma_wait3A_44] : memref<10240x128xf32, #tpu.memory_space<hbm>> -> memref<10240x128xf32, #tpu.memory_space<hbm>>
      tpu.wait_indirect_dma semaphore(%arg12 : memref<!tpu.dma_semaphore, #tpu.memory_space<semaphore_mem>>) src(%dma_wait3A_45 : memref<10240x128xf32, #tpu.memory_space<hbm>>) dst(%arg9 : memref<128x128xf32, #tpu.memory_space<vmem>>)
      "tpu.region"() ({
        %run_scoped3A = tpu.sem_alloc : memref<!tpu.dma_semaphore, #tpu.memory_space<semaphore_mem>>
        %dma_start3A_60 = arith.constant 0 : i32
        %dma_start3A_61 = tpu.memref_slice %arg8[%mul3A_32, %dma_start3A_60] : memref<40x128xi32, #tpu.memory_space<vmem>> -> memref<1x128xi32, #tpu.memory_space<vmem>>
        %dma_start3A_62 = tpu.memref_squeeze %dma_start3A_61 : memref<1x128xi32, #tpu.memory_space<vmem>> -> memref<128xi32, #tpu.memory_space<vmem>>
        %dma_start3A_63 = arith.constant 0 : i32
        %dma_start3A_64 = arith.constant 0 : i32
        %dma_start3A_65 = tpu.memref_slice %arg11[%dma_start3A_63, %dma_start3A_64] : memref<10240x128xf32, #tpu.memory_space<vmem_shared>> -> memref<10240x128xf32, #tpu.memory_space<vmem_shared>>
        tpu.enqueue_indirect_dma source(%arg9 : memref<128x128xf32, #tpu.memory_space<vmem>>) target(%dma_start3A_65 : memref<10240x128xf32, #tpu.memory_space<vmem_shared>>) offsets(%dma_start3A_62 : memref<128xi32, #tpu.memory_space<vmem>>) semaphore(%run_scoped3A : memref<!tpu.dma_semaphore, #tpu.memory_space<semaphore_mem>>) {add = true}
        %dma_wait3A_66 = arith.constant 0 : i32
        %dma_wait3A_67 = tpu.memref_slice %arg8[%mul3A_32, %dma_wait3A_66] : memref<40x128xi32, #tpu.memory_space<vmem>> -> memref<1x128xi32, #tpu.memory_space<vmem>>
        %dma_wait3A_68 = tpu.memref_squeeze %dma_wait3A_67 : memref<1x128xi32, #tpu.memory_space<vmem>> -> memref<128xi32, #tpu.memory_space<vmem>>
        %dma_wait3A_69 = arith.constant 0 : i32
        %dma_wait3A_70 = arith.constant 0 : i32
        %dma_wait3A_71 = tpu.memref_slice %arg11[%dma_wait3A_69, %dma_wait3A_70] : memref<10240x128xf32, #tpu.memory_space<vmem_shared>> -> memref<10240x128xf32, #tpu.memory_space<vmem_shared>>
        tpu.wait_indirect_dma semaphore(%run_scoped3A : memref<!tpu.dma_semaphore, #tpu.memory_space<semaphore_mem>>) src(%arg9 : memref<128x128xf32, #tpu.memory_space<vmem>>) dst(%dma_wait3A_71 : memref<10240x128xf32, #tpu.memory_space<vmem_shared>>)
        tpu.yield
      }) : () -> ()
      %add3A_46 = arith.constant 1 : i32
      %add3A_47 = arith.addi %scan3A_30, %add3A_46 : i32
      %lt3A = arith.constant 20 : i32
      %lt3A_48 = arith.cmpi slt, %add3A_47, %lt3A : i32
      %convert_element_type3A = arith.extui %lt3A_48 : i1 to i32
      %cond3A = arith.constant 0 : i32
      %cond3A_49 = arith.cmpi ne, %convert_element_type3A, %cond3A : i32
      scf.if %cond3A_49 {
        %add3A_60 = arith.constant 2 : i32
        %add3A_61 = arith.addi %mul3A_32, %add3A_60 : i32
        %dma_start3A_62 = arith.constant 0 : i32
        %dma_start3A_63 = tpu.memref_slice %arg7[%add3A_61, %dma_start3A_62] : memref<40x128xi32, #tpu.memory_space<vmem>> -> memref<1x128xi32, #tpu.memory_space<vmem>>
        %dma_start3A_64 = tpu.memref_squeeze %dma_start3A_63 : memref<1x128xi32, #tpu.memory_space<vmem>> -> memref<128xi32, #tpu.memory_space<vmem>>
        %dma_start3A_65 = arith.constant 0 : i32
        %dma_start3A_66 = arith.constant 0 : i32
        %dma_start3A_67 = tpu.memref_slice %arg2[%dma_start3A_65, %dma_start3A_66] : memref<10240x128xf32, #tpu.memory_space<hbm>> -> memref<10240x128xf32, #tpu.memory_space<hbm>>
        tpu.enqueue_indirect_dma source(%dma_start3A_67 : memref<10240x128xf32, #tpu.memory_space<hbm>>) target(%arg9 : memref<128x128xf32, #tpu.memory_space<vmem>>) offsets(%dma_start3A_64 : memref<128xi32, #tpu.memory_space<vmem>>) semaphore(%arg12 : memref<!tpu.dma_semaphore, #tpu.memory_space<semaphore_mem>>)
      } else {
      }
      %add3A_50 = arith.constant 1 : i32
      %add3A_51 = arith.addi %mul3A_32, %add3A_50 : i32
      %dma_wait3A_52 = arith.constant 0 : i32
      %dma_wait3A_53 = tpu.memref_slice %arg7[%add3A_51, %dma_wait3A_52] : memref<40x128xi32, #tpu.memory_space<vmem>> -> memref<1x128xi32, #tpu.memory_space<vmem>>
      %dma_wait3A_54 = tpu.memref_squeeze %dma_wait3A_53 : memref<1x128xi32, #tpu.memory_space<vmem>> -> memref<128xi32, #tpu.memory_space<vmem>>
      %dma_wait3A_55 = arith.constant 0 : i32
      %dma_wait3A_56 = arith.constant 0 : i32
      %dma_wait3A_57 = tpu.memref_slice %arg2[%dma_wait3A_55, %dma_wait3A_56] : memref<10240x128xf32, #tpu.memory_space<hbm>> -> memref<10240x128xf32, #tpu.memory_space<hbm>>
      tpu.wait_indirect_dma semaphore(%arg13 : memref<!tpu.dma_semaphore, #tpu.memory_space<semaphore_mem>>) src(%dma_wait3A_57 : memref<10240x128xf32, #tpu.memory_space<hbm>>) dst(%arg10 : memref<128x128xf32, #tpu.memory_space<vmem>>)
      %add3A_58 = arith.constant 1 : i32
      %add3A_59 = arith.addi %mul3A_32, %add3A_58 : i32
      "tpu.region"() ({
        %run_scoped3A = tpu.sem_alloc : memref<!tpu.dma_semaphore, #tpu.memory_space<semaphore_mem>>
        %dma_start3A_60 = arith.constant 0 : i32
        %dma_start3A_61 = tpu.memref_slice %arg8[%add3A_59, %dma_start3A_60] : memref<40x128xi32, #tpu.memory_space<vmem>> -> memref<1x128xi32, #tpu.memory_space<vmem>>
        %dma_start3A_62 = tpu.memref_squeeze %dma_start3A_61 : memref<1x128xi32, #tpu.memory_space<vmem>> -> memref<128xi32, #tpu.memory_space<vmem>>
        %dma_start3A_63 = arith.constant 0 : i32
        %dma_start3A_64 = arith.constant 0 : i32
        %dma_start3A_65 = tpu.memref_slice %arg11[%dma_start3A_63, %dma_start3A_64] : memref<10240x128xf32, #tpu.memory_space<vmem_shared>> -> memref<10240x128xf32, #tpu.memory_space<vmem_shared>>
        tpu.enqueue_indirect_dma source(%arg10 : memref<128x128xf32, #tpu.memory_space<vmem>>) target(%dma_start3A_65 : memref<10240x128xf32, #tpu.memory_space<vmem_shared>>) offsets(%dma_start3A_62 : memref<128xi32, #tpu.memory_space<vmem>>) semaphore(%run_scoped3A : memref<!tpu.dma_semaphore, #tpu.memory_space<semaphore_mem>>) {add = true}
        %dma_wait3A_66 = arith.constant 0 : i32
        %dma_wait3A_67 = tpu.memref_slice %arg8[%add3A_59, %dma_wait3A_66] : memref<40x128xi32, #tpu.memory_space<vmem>> -> memref<1x128xi32, #tpu.memory_space<vmem>>
        %dma_wait3A_68 = tpu.memref_squeeze %dma_wait3A_67 : memref<1x128xi32, #tpu.memory_space<vmem>> -> memref<128xi32, #tpu.memory_space<vmem>>
        %dma_wait3A_69 = arith.constant 0 : i32
        %dma_wait3A_70 = arith.constant 0 : i32
        %dma_wait3A_71 = tpu.memref_slice %arg11[%dma_wait3A_69, %dma_wait3A_70] : memref<10240x128xf32, #tpu.memory_space<vmem_shared>> -> memref<10240x128xf32, #tpu.memory_space<vmem_shared>>
        tpu.wait_indirect_dma semaphore(%run_scoped3A : memref<!tpu.dma_semaphore, #tpu.memory_space<semaphore_mem>>) src(%arg10 : memref<128x128xf32, #tpu.memory_space<vmem>>) dst(%dma_wait3A_71 : memref<10240x128xf32, #tpu.memory_space<vmem_shared>>)
        tpu.yield
      }) : () -> ()
    }
    %scan3A_26 = arith.constant 20 : i32
    %barrier3A_27 = arith.constant 0 : index
    tpu.barrier barrier_id(%barrier3A_27)
    %mul3A_28 = arith.constant 640 : i32
    %mul3A_29 = arith.muli %arg1, %mul3A_28 : i32
    "tpu.region"() ({
      %run_scoped3A = tpu.sem_alloc : memref<!tpu.dma_semaphore, #tpu.memory_space<semaphore_mem>>
      %dma_start3A_30 = arith.constant 0 : i32
      %dma_start3A_31 = tpu.memref_slice %arg6[%arg0, %mul3A_29, %dma_start3A_30] : memref<2x10240x128xf32, #tpu.memory_space<hbm>> -> memref<1x640x128xf32, #tpu.memory_space<hbm>>
      %dma_start3A_32 = tpu.memref_squeeze %dma_start3A_31 : memref<1x640x128xf32, #tpu.memory_space<hbm>> -> memref<640x128xf32, #tpu.memory_space<hbm>>
      %dma_start3A_33 = arith.constant 0 : i32
      %dma_start3A_34 = tpu.memref_slice %arg11[%mul3A_29, %dma_start3A_33] : memref<10240x128xf32, #tpu.memory_space<vmem_shared>> -> memref<640x128xf32, #tpu.memory_space<vmem_shared>>
      tpu.enqueue_dma source(%dma_start3A_34 : memref<640x128xf32, #tpu.memory_space<vmem_shared>>) target(%dma_start3A_32 : memref<640x128xf32, #tpu.memory_space<hbm>>) target_semaphore(%run_scoped3A : memref<!tpu.dma_semaphore, #tpu.memory_space<semaphore_mem>>)
      %dma_wait3A = arith.constant 0 : i32
      %dma_wait3A_35 = tpu.memref_slice %arg6[%arg0, %mul3A_29, %dma_wait3A] : memref<2x10240x128xf32, #tpu.memory_space<hbm>> -> memref<1x640x128xf32, #tpu.memory_space<hbm>>
      %dma_wait3A_36 = tpu.memref_squeeze %dma_wait3A_35 : memref<1x640x128xf32, #tpu.memory_space<hbm>> -> memref<640x128xf32, #tpu.memory_space<hbm>>
      %dma_wait3A_37 = arith.constant 0 : i32
      %dma_wait3A_38 = tpu.memref_slice %arg11[%mul3A_29, %dma_wait3A_37] : memref<10240x128xf32, #tpu.memory_space<vmem_shared>> -> memref<640x128xf32, #tpu.memory_space<vmem_shared>>
      tpu.wait_dma2 semaphore(%run_scoped3A : memref<!tpu.dma_semaphore, #tpu.memory_space<semaphore_mem>>) src(%dma_wait3A_38 : memref<640x128xf32, #tpu.memory_space<vmem_shared>>) dst(%dma_wait3A_36 : memref<640x128xf32, #tpu.memory_space<hbm>>)
      tpu.yield
    }) : () -> ()
    return
  }
}

module attributes {stable_mosaic.version = 14 : i64} {
  func.func @_first_body(%arg0: i32, %arg1: memref<1024x128xf32, #tpu.memory_space<vmem>>, %arg2: memref<128x128xf32, #tpu.memory_space<vmem>>, %arg3: memref<1024x128xf32, #tpu.memory_space<vmem>>, %arg4: memref<1024x128xf32, #tpu.memory_space<vmem>>, %arg5: memref<1024x128xf32, #tpu.memory_space<vmem>>) attributes {dimension_semantics = [#tpu.dimension_semantics<arbitrary>], iteration_bounds = array<i64: 10>, scalar_prefetch = 0 : i64, scratch_operands = 0 : i64, tpu.core_type = #tpu.core_type<tc>, window_params = [{transform_indices = @transform_0, window_bounds = array<i64: 1024, 128>}, {pipeline_mode = #tpu.pipeline_mode<synchronous>, transform_indices = @transform_1, window_bounds = array<i64: 128, 128>}, {transform_indices = @transform_2, window_bounds = array<i64: 1024, 128>}, {transform_indices = @transform_3, window_bounds = array<i64: 1024, 128>}, {transform_indices = @transform_4, window_bounds = array<i64: 1024, 128>}]} {
    %get3A = arith.constant 0 : index
    %get3A_0 = arith.constant 0 : index
    %get3A_1 = vector.load %arg1[%get3A, %get3A_0] : memref<1024x128xf32, #tpu.memory_space<vmem>>, vector<1024x128xf32>
    %get3A_2 = arith.constant 0 : index
    %get3A_3 = arith.constant 0 : index
    %get3A_4 = vector.load %arg2[%get3A_2, %get3A_3] : memref<128x128xf32, #tpu.memory_space<vmem>>, vector<128x128xf32>
    %dot_general3A = arith.constant dense<0.000000e+00> : vector<1024x128xf32>
    %dot_general3A_5 = tpu.matmul %get3A_1, %get3A_4, %dot_general3A {dimension_numbers = #tpu.dot_dimension_numbers<[1], [0], [0], [1], [0, 0, 1, 1], [], []>, transpose_lhs_hint = false} : vector<1024x128xf32>, vector<128x128xf32>, vector<1024x128xf32> -> vector<1024x128xf32>
    %get3A_6 = arith.constant 0 : index
    %get3A_7 = arith.constant 0 : index
    %get3A_8 = vector.load %arg3[%get3A_6, %get3A_7] : memref<1024x128xf32, #tpu.memory_space<vmem>>, vector<1024x1xf32>
    %get3A_9 = arith.constant 0 : index
    %get3A_10 = arith.constant 0 : index
    %get3A_11 = vector.load %arg4[%get3A_9, %get3A_10] : memref<1024x128xf32, #tpu.memory_space<vmem>>, vector<1024x1xf32>
    %add3A = arith.addf %get3A_8, %get3A_11 : vector<1024x1xf32>
    %add3A_12 = arith.constant 1.000000e+00 : f32
    %add3A_13 = vector.broadcast %add3A_12 : f32 to vector<1024x1xf32>
    %add3A_14 = arith.addf %add3A, %add3A_13 : vector<1024x1xf32>
    %rsqrt3A = math.rsqrt %add3A_14 : vector<1024x1xf32>
    %mul3A = vector.broadcast %rsqrt3A : vector<1024x1xf32> to vector<1024x128xf32>
    %mul3A_15 = arith.mulf %dot_general3A_5, %mul3A : vector<1024x128xf32>
    %swap3A = arith.constant 0 : index
    %swap3A_16 = arith.constant 0 : index
    %swap3A_17 = vector.load %arg5[%swap3A, %swap3A_16] : memref<1024x128xf32, #tpu.memory_space<vmem>>, vector<1024x128xf32>
    tpu.vector_store %arg5[%swap3A, %swap3A_16], %mul3A_15 {strides = array<i32>} : memref<1024x128xf32, #tpu.memory_space<vmem>>, vector<1024x128xf32>,
    return
  }
  func.func @transform_0(%arg0: i32) -> (i32, i32) {
    %c0_i32 = arith.constant 0 : i32
    %c0_i32_0 = arith.constant 0 : i32
    return %arg0, %c0_i32 : i32, i32
  }
  func.func @transform_1(%arg0: i32) -> (i32, i32) {
    %c0_i32 = arith.constant 0 : i32
    %c0_i32_0 = arith.constant 0 : i32
    %c0_i32_1 = arith.constant 0 : i32
    return %c0_i32, %c0_i32_0 : i32, i32
  }
  func.func @transform_2(%arg0: i32) -> (i32, i32) {
    %c0_i32 = arith.constant 0 : i32
    %c0_i32_0 = arith.constant 0 : i32
    return %arg0, %c0_i32 : i32, i32
  }
  func.func @transform_3(%arg0: i32) -> (i32, i32) {
    %c0_i32 = arith.constant 0 : i32
    %c0_i32_0 = arith.constant 0 : i32
    return %arg0, %c0_i32 : i32, i32
  }
  func.func @transform_4(%arg0: i32) -> (i32, i32) {
    %c0_i32 = arith.constant 0 : i32
    %c0_i32_0 = arith.constant 0 : i32
    return %arg0, %c0_i32 : i32, i32
  }
}

module attributes {stable_mosaic.version = 14 : i64} {
  func.func @_mid_body(%arg0: i32, %arg1: memref<1024x128xf32, #tpu.memory_space<vmem>>, %arg2: memref<1024x128xf32, #tpu.memory_space<vmem>>, %arg3: memref<1024x128xf32, #tpu.memory_space<vmem>>, %arg4: memref<1024x128xf32, #tpu.memory_space<vmem>>, %arg5: memref<1024x128xf32, #tpu.memory_space<vmem>>, %arg6: memref<128x128xf32, #tpu.memory_space<vmem>>, %arg7: memref<1x128xf32, #tpu.memory_space<vmem>>, %arg8: memref<1024x128xf32, #tpu.memory_space<vmem>>) attributes {dimension_semantics = [#tpu.dimension_semantics<arbitrary>], iteration_bounds = array<i64: 10>, scalar_prefetch = 0 : i64, scratch_operands = 0 : i64, tpu.core_type = #tpu.core_type<tc>, window_params = [{transform_indices = @transform_0, window_bounds = array<i64: 1024, 128>}, {transform_indices = @transform_1, window_bounds = array<i64: 1024, 128>}, {transform_indices = @transform_2, window_bounds = array<i64: 1024, 128>}, {transform_indices = @transform_3, window_bounds = array<i64: 1024, 128>}, {transform_indices = @transform_4, window_bounds = array<i64: 1024, 128>}, {pipeline_mode = #tpu.pipeline_mode<synchronous>, transform_indices = @transform_5, window_bounds = array<i64: 128, 128>}, {pipeline_mode = #tpu.pipeline_mode<synchronous>, transform_indices = @transform_6, window_bounds = array<i64: 1, 128>}, {transform_indices = @transform_7, window_bounds = array<i64: 1024, 128>}]} {
    %get3A = arith.constant 0 : index
    %get3A_0 = arith.constant 0 : index
    %get3A_1 = vector.load %arg4[%get3A, %get3A_0] : memref<1024x128xf32, #tpu.memory_space<vmem>>, vector<1024x1xf32>
    %get3A_2 = arith.constant 0 : index
    %get3A_3 = arith.constant 0 : index
    %get3A_4 = vector.load %arg5[%get3A_2, %get3A_3] : memref<1024x128xf32, #tpu.memory_space<vmem>>, vector<1024x1xf32>
    %add3A = arith.addf %get3A_1, %get3A_4 : vector<1024x1xf32>
    %add3A_5 = arith.constant 1.000000e+00 : f32
    %add3A_6 = vector.broadcast %add3A_5 : f32 to vector<1024x1xf32>
    %add3A_7 = arith.addf %add3A, %add3A_6 : vector<1024x1xf32>
    %rsqrt3A = math.rsqrt %add3A_7 : vector<1024x1xf32>
    %get3A_8 = arith.constant 0 : index
    %get3A_9 = arith.constant 0 : index
    %get3A_10 = vector.load %arg1[%get3A_8, %get3A_9] : memref<1024x128xf32, #tpu.memory_space<vmem>>, vector<1024x128xf32>
    %get3A_11 = arith.constant 0 : index
    %get3A_12 = arith.constant 0 : index
    %get3A_13 = vector.load %arg2[%get3A_11, %get3A_12] : memref<1024x128xf32, #tpu.memory_space<vmem>>, vector<1024x128xf32>
    %add3A_14 = arith.addf %get3A_10, %get3A_13 : vector<1024x128xf32>
    %get3A_15 = arith.constant 0 : index
    %get3A_16 = arith.constant 0 : index
    %get3A_17 = vector.load %arg3[%get3A_15, %get3A_16] : memref<1024x128xf32, #tpu.memory_space<vmem>>, vector<1024x128xf32>
    %add3A_18 = arith.addf %add3A_14, %get3A_17 : vector<1024x128xf32>
    %mul3A = vector.broadcast %rsqrt3A : vector<1024x1xf32> to vector<1024x128xf32>
    %mul3A_19 = arith.mulf %add3A_18, %mul3A : vector<1024x128xf32>
    %get3A_20 = arith.constant 0 : index
    %get3A_21 = arith.constant 0 : index
    %get3A_22 = vector.load %arg7[%get3A_20, %get3A_21] : memref<1x128xf32, #tpu.memory_space<vmem>>, vector<1x128xf32>
    %add3A_23 = vector.broadcast %get3A_22 : vector<1x128xf32> to vector<1024x128xf32>
    %add3A_24 = arith.addf %mul3A_19, %add3A_23 : vector<1024x128xf32>
    %max3A = arith.constant 0.000000e+00 : f32
    %max3A_25 = vector.broadcast %max3A : f32 to vector<1024x128xf32>
    %max3A_26 = arith.maximumf %add3A_24, %max3A_25 : vector<1024x128xf32>
    %get3A_27 = arith.constant 0 : index
    %get3A_28 = arith.constant 0 : index
    %get3A_29 = vector.load %arg6[%get3A_27, %get3A_28] : memref<128x128xf32, #tpu.memory_space<vmem>>, vector<128x128xf32>
    %dot_general3A = arith.constant dense<0.000000e+00> : vector<1024x128xf32>
    %dot_general3A_30 = tpu.matmul %max3A_26, %get3A_29, %dot_general3A {dimension_numbers = #tpu.dot_dimension_numbers<[1], [0], [0], [1], [0, 0, 1, 1], [], []>, transpose_lhs_hint = false} : vector<1024x128xf32>, vector<128x128xf32>, vector<1024x128xf32> -> vector<1024x128xf32>
    %mul3A_31 = vector.broadcast %rsqrt3A : vector<1024x1xf32> to vector<1024x128xf32>
    %mul3A_32 = arith.mulf %dot_general3A_30, %mul3A_31 : vector<1024x128xf32>
    %swap3A = arith.constant 0 : index
    %swap3A_33 = arith.constant 0 : index
    %swap3A_34 = vector.load %arg8[%swap3A, %swap3A_33] : memref<1024x128xf32, #tpu.memory_space<vmem>>, vector<1024x128xf32>
    tpu.vector_store %arg8[%swap3A, %swap3A_33], %mul3A_32 {strides = array<i32>} : memref<1024x128xf32, #tpu.memory_space<vmem>>, vector<1024x128xf32>,
    return
  }
  func.func @transform_0(%arg0: i32) -> (i32, i32) {
    %c0_i32 = arith.constant 0 : i32
    %c0_i32_0 = arith.constant 0 : i32
    return %arg0, %c0_i32 : i32, i32
  }
  func.func @transform_1(%arg0: i32) -> (i32, i32) {
    %c0_i32 = arith.constant 0 : i32
    %c0_i32_0 = arith.constant 0 : i32
    return %arg0, %c0_i32 : i32, i32
  }
  func.func @transform_2(%arg0: i32) -> (i32, i32) {
    %c0_i32 = arith.constant 0 : i32
    %c0_i32_0 = arith.constant 0 : i32
    return %arg0, %c0_i32 : i32, i32
  }
  func.func @transform_3(%arg0: i32) -> (i32, i32) {
    %c0_i32 = arith.constant 0 : i32
    %c0_i32_0 = arith.constant 0 : i32
    return %arg0, %c0_i32 : i32, i32
  }
  func.func @transform_4(%arg0: i32) -> (i32, i32) {
    %c0_i32 = arith.constant 0 : i32
    %c0_i32_0 = arith.constant 0 : i32
    return %arg0, %c0_i32 : i32, i32
  }
  func.func @transform_5(%arg0: i32) -> (i32, i32) {
    %c0_i32 = arith.constant 0 : i32
    %c0_i32_0 = arith.constant 0 : i32
    %c0_i32_1 = arith.constant 0 : i32
    return %c0_i32, %c0_i32_0 : i32, i32
  }
  func.func @transform_6(%arg0: i32) -> (i32, i32) {
    %c0_i32 = arith.constant 0 : i32
    %c0_i32_0 = arith.constant 0 : i32
    %c0_i32_1 = arith.constant 0 : i32
    return %c0_i32, %c0_i32_0 : i32, i32
  }
  func.func @transform_7(%arg0: i32) -> (i32, i32) {
    %c0_i32 = arith.constant 0 : i32
    %c0_i32_0 = arith.constant 0 : i32
    return %arg0, %c0_i32 : i32, i32
  }
}

module attributes {stable_mosaic.version = 14 : i64} {
  func.func @_final_body(%arg0: i32, %arg1: memref<1000x128xf32, #tpu.memory_space<vmem>>, %arg2: memref<1000x128xf32, #tpu.memory_space<vmem>>, %arg3: memref<1000x128xf32, #tpu.memory_space<vmem>>, %arg4: memref<1000x128xf32, #tpu.memory_space<vmem>>, %arg5: memref<1000x128xf32, #tpu.memory_space<vmem>>, %arg6: memref<1x128xf32, #tpu.memory_space<vmem>>, %arg7: memref<1000x128xf32, #tpu.memory_space<vmem>>) attributes {dimension_semantics = [#tpu.dimension_semantics<arbitrary>], iteration_bounds = array<i64: 10>, scalar_prefetch = 0 : i64, scratch_operands = 0 : i64, tpu.core_type = #tpu.core_type<tc>, window_params = [{transform_indices = @transform_0, window_bounds = array<i64: 1000, 128>}, {transform_indices = @transform_1, window_bounds = array<i64: 1000, 128>}, {transform_indices = @transform_2, window_bounds = array<i64: 1000, 128>}, {transform_indices = @transform_3, window_bounds = array<i64: 1000, 128>}, {transform_indices = @transform_4, window_bounds = array<i64: 1000, 128>}, {pipeline_mode = #tpu.pipeline_mode<synchronous>, transform_indices = @transform_5, window_bounds = array<i64: 1, 128>}, {transform_indices = @transform_6, window_bounds = array<i64: 1000, 128>}]} {
    %get3A = arith.constant 0 : index
    %get3A_0 = arith.constant 0 : index
    %get3A_1 = vector.load %arg4[%get3A, %get3A_0] : memref<1000x128xf32, #tpu.memory_space<vmem>>, vector<1000x1xf32>
    %get3A_2 = arith.constant 0 : index
    %get3A_3 = arith.constant 0 : index
    %get3A_4 = vector.load %arg5[%get3A_2, %get3A_3] : memref<1000x128xf32, #tpu.memory_space<vmem>>, vector<1000x1xf32>
    %add3A = arith.addf %get3A_1, %get3A_4 : vector<1000x1xf32>
    %add3A_5 = arith.constant 1.000000e+00 : f32
    %add3A_6 = vector.broadcast %add3A_5 : f32 to vector<1000x1xf32>
    %add3A_7 = arith.addf %add3A, %add3A_6 : vector<1000x1xf32>
    %rsqrt3A = math.rsqrt %add3A_7 : vector<1000x1xf32>
    %get3A_8 = arith.constant 0 : index
    %get3A_9 = arith.constant 0 : index
    %get3A_10 = vector.load %arg1[%get3A_8, %get3A_9] : memref<1000x128xf32, #tpu.memory_space<vmem>>, vector<1000x128xf32>
    %get3A_11 = arith.constant 0 : index
    %get3A_12 = arith.constant 0 : index
    %get3A_13 = vector.load %arg2[%get3A_11, %get3A_12] : memref<1000x128xf32, #tpu.memory_space<vmem>>, vector<1000x128xf32>
    %add3A_14 = arith.addf %get3A_10, %get3A_13 : vector<1000x128xf32>
    %get3A_15 = arith.constant 0 : index
    %get3A_16 = arith.constant 0 : index
    %get3A_17 = vector.load %arg3[%get3A_15, %get3A_16] : memref<1000x128xf32, #tpu.memory_space<vmem>>, vector<1000x128xf32>
    %add3A_18 = arith.addf %add3A_14, %get3A_17 : vector<1000x128xf32>
    %mul3A = vector.broadcast %rsqrt3A : vector<1000x1xf32> to vector<1000x128xf32>
    %mul3A_19 = arith.mulf %add3A_18, %mul3A : vector<1000x128xf32>
    %get3A_20 = arith.constant 0 : index
    %get3A_21 = arith.constant 0 : index
    %get3A_22 = vector.load %arg6[%get3A_20, %get3A_21] : memref<1x128xf32, #tpu.memory_space<vmem>>, vector<1x128xf32>
    %add3A_23 = vector.broadcast %get3A_22 : vector<1x128xf32> to vector<1000x128xf32>
    %add3A_24 = arith.addf %mul3A_19, %add3A_23 : vector<1000x128xf32>
    %swap3A = arith.constant 0 : index
    %swap3A_25 = arith.constant 0 : index
    %swap3A_26 = vector.load %arg7[%swap3A, %swap3A_25] : memref<1000x128xf32, #tpu.memory_space<vmem>>, vector<1000x128xf32>
    tpu.vector_store %arg7[%swap3A, %swap3A_25], %add3A_24 {strides = array<i32>} : memref<1000x128xf32, #tpu.memory_space<vmem>>, vector<1000x128xf32>,
    return
  }
  func.func @transform_0(%arg0: i32) -> (i32, i32) {
    %c0_i32 = arith.constant 0 : i32
    %c0_i32_0 = arith.constant 0 : i32
    return %arg0, %c0_i32 : i32, i32
  }
  func.func @transform_1(%arg0: i32) -> (i32, i32) {
    %c0_i32 = arith.constant 0 : i32
    %c0_i32_0 = arith.constant 0 : i32
    return %arg0, %c0_i32 : i32, i32
  }
  func.func @transform_2(%arg0: i32) -> (i32, i32) {
    %c0_i32 = arith.constant 0 : i32
    %c0_i32_0 = arith.constant 0 : i32
    return %arg0, %c0_i32 : i32, i32
  }
  func.func @transform_3(%arg0: i32) -> (i32, i32) {
    %c0_i32 = arith.constant 0 : i32
    %c0_i32_0 = arith.constant 0 : i32
    return %arg0, %c0_i32 : i32, i32
  }
  func.func @transform_4(%arg0: i32) -> (i32, i32) {
    %c0_i32 = arith.constant 0 : i32
    %c0_i32_0 = arith.constant 0 : i32
    return %arg0, %c0_i32 : i32, i32
  }
  func.func @transform_5(%arg0: i32) -> (i32, i32) {
    %c0_i32 = arith.constant 0 : i32
    %c0_i32_0 = arith.constant 0 : i32
    %c0_i32_1 = arith.constant 0 : i32
    return %c0_i32, %c0_i32_0 : i32, i32
  }
  func.func @transform_6(%arg0: i32) -> (i32, i32) {
    %c0_i32 = arith.constant 0 : i32
    %c0_i32_0 = arith.constant 0 : i32
    return %arg0, %c0_i32 : i32, i32
  }
}

</mosaic_0001>

<sc_bundles>
// kernel: kernel.11.cloned.1.call-start
scs
__scs_entry_jumppad:
0x0: {  	(pc) =	sbr.rel $0x88, $3  }
0x1: {  	(tag) =	ssettag $0x0;
	lr =	simm.s32 $0x1  }
0x2: {  	[smem:$0x3F9B] =	sst lr;
	_ =	strace $0xD0000000  }
0x3: {  	_ = 	snop  }
0x4: {  	_ = 	snop  }
0x5: {  	_ = 	snop  }
0x6: {  	_ = 	snop  }
0x7: {  	_ = 	snop  }
__scs_overlays_trampoline_lowered:
0x8: {  	[smem:$0x3FAA] =	sst s0  }
0x9: {  	[smem:$0x3FAB] =	sst s1  }
0xa: {  	[smem:$0x3FAC] =	sst s2  }
0xb: {  	[smem:$0x3FAD] =	sst s3  }
0xc: {  	[smem:$0x3FAE] =	sst s4  }
0xd: {  	[smem:$0x3FAF] =	sst s5  }
0xe: {  	[smem:$0x3FB0] =	sst s6  }
0xf: {  	[smem:$0x3FB1] =	sst s7  }
0x10: {  	[smem:$0x3FB2] =	sst s8  }
0x11: {  	[smem:$0x3FB3] =	sst s9;
	s0 =	simm.s32 @!p0 $0x0  }
0x12: {  	s1 =	sld [smem:$0x3F99];
	s0 =	simm.s32 @p0 $0x1  }
0x13: {  	[smem:$0x3FB4] =	sst s0;
	s0 =	simm.s32 @!p1 $0x0  }
0x14: {  	s2 =	sld [smem:$0x3F98];
	s0 =	simm.s32 @p1 $0x1  }
0x15: {  	[smem:$0x3FB5] =	sst s0;
	s0 =	simm.s32 @!p2 $0x0  }
0x16: {  	s3 =	sld [smem:$0x3FDB];
	s0 =	simm.s32 @p2 $0x1  }
0x17: {  	s4 =	simm.s32 $0x1BF5;
	[smem:$0x3FB7] =	sst s0  }
0x18: {  	s0 =	sld [smem:$0x3F9A];
	_ =	swait.ge [sflag:s4], $0x0  }
0x19: {  	s7 =	sld [smem:$0x3F9B]  }
0x1a: {  	s8 =	sadd.s32 $0xFFFFE003, lr  }
0x1b: {  	s9 =	sadd.s32 $0xFFFFFEF7, lr;
	s5 =	simm.s32 $0xFFFFFFFF;
	p2 =	slt.u32 s8, $0xFFFFF086  }
0x1c: {  	p1 =	slt.u32 s9, $0xF7A;
	s5 =	simm.s32 @!p2 $0x0  }
0x1d: {  	s5 =	simm.s32 @p1 $0x1;
	p0 =	seq.s32 s7, s2  }
0x1e: {  	s7 =	smul.u32 @!p0 $0xF7A, s2;
	p2 =	seq.s32 @!p0 s5, $0x0  }
0x1f: {  	s9 =	smul.u32 $0xF7A, s1;
	s8 =	simm.s32 @!p0 $0x1BF5;
	p2 =	por !p2, p0  }
0x20: {  	[sflag:s8] =	ssyncset.s32 @!p0 $0xFFFFF086;
	s6 =	sadd.s32 @!p0 s3, s7;
	s7 =	simm.s32 @!p0 $0x108  }
0x21: {  	s3 =	sadd.s32 s3, s9;
	s6 =	sadd.s32 @!p0 $0x88, s6;
	s7 =	simm.s32 @p2 $0x1082  }
0x22: {  	[simem:s7], [sflag:s8] =	dma.local @!p0 [hbm:s6], $0xF7A  }
0x23: {  	s9 =	sor.u32 $0xD0000000, s2;
	s6 =	simm.s32 $0x108;
	_ =	swait.ge @!p0 [sflag:s8], $0x0  }
0x24: {  	s3 =	sadd.s32 $0x88, s3;
	s6 =	simm.s32 @!p1 $0x1082;
	[sflag:s4] =	ssyncset.s32 $0xFFFFF086  }
0x25: {  	[simem:s6], [sflag:s4] =	dma.local [hbm:s3], $0xF7A  }
0x26: {  	[smem:$0x3F9B] =	sst s1;
	(tag) =	ssettag s2;
	_ =	strace s9  }
0x27: {  	s1 =	sld [smem:$0x3FAB]  }
0x28: {  	s2 =	sld [smem:$0x3FAC]  }
0x29: {  	s4 =	sld [smem:$0x3FAE]  }
0x2a: {  	p0 =	seq.s32 s5, $0x0;
	s5 =	sld [smem:$0x3FAF]  }
0x2b: {  	s6 =	sld [smem:$0x3FB0]  }
0x2c: {  	s7 =	sld [smem:$0x3FB1]  }
0x2d: {  	s3 =	simm.s32 $0x108;
	s8 =	sld [smem:$0x3FB2]  }
0x2e: {  	s3 =	simm.s32 @!p0 $0x1082;
	s9 =	sld [smem:$0x3FB3]  }
0x2f: {  	lr =	sadd.s32 s0, s3;
	s0 =	sld [smem:$0x3FAA]  }
0x30: {  	s3 =	sld [smem:$0x3FAD]  }
0x31: {  	[smem:$0x3FB6] =	sst s10  }
0x32: {  	s10 =	sld [smem:$0x3FB4];
	_ =	sdelay $0x3  }
0x33: {  	p0 =	seq.s32 s10, $0x1;
	s10 =	sld [smem:$0x3FB6];
	_ =	sdelay $0x3  }
0x34: {  	[smem:$0x3FB6] =	sst s10  }
0x35: {  	s10 =	sld [smem:$0x3FB5];
	_ =	sdelay $0x3  }
0x36: {  	p1 =	seq.s32 s10, $0x1;
	s10 =	sld [smem:$0x3FB6];
	_ =	sdelay $0x3  }
0x37: {  	[smem:$0x3FB6] =	sst s10  }
0x38: {  	s10 =	sld [smem:$0x3FB7]  }
0x39: {  	_ = 	snop;
	(pc) =	sbr.ind lr, $3  }
0x3a: {  	_ = 	snop  }
0x3b: {  	_ = 	snop  }
0x3c: {  	p2 =	seq.s32 s10, $0x1;
	s10 =	sld [smem:$0x3FB6]  }
0x3d: {  	_ =	shalt  }
0x3e: {  	_ =	shalt  }
0x3f: {  	_ =	shalt  }
0x40: {  	_ =	shalt  }
0x41: {  	_ =	shalt  }
0x42: {  	_ =	shalt  }
0x43: {  	_ =	shalt  }
0x44: {  	_ =	shalt  }
0x45: {  	_ =	shalt  }
0x46: {  	_ =	shalt  }
0x47: {  	_ =	shalt  }
0x48: {  	_ =	shalt  }
0x49: {  	_ =	shalt  }
0x4a: {  	_ =	shalt  }
0x4b: {  	_ =	shalt  }
0x4c: {  	_ =	shalt  }
0x4d: {  	_ =	shalt  }
0x4e: {  	_ =	shalt  }
0x4f: {  	_ =	shalt  }
0x50: {  	_ =	shalt  }
0x51: {  	_ =	shalt  }
0x52: {  	_ =	shalt  }
0x53: {  	_ =	shalt  }
0x54: {  	_ =	shalt  }
0x55: {  	_ =	shalt  }
0x56: {  	_ =	shalt  }
0x57: {  	_ =	shalt  }
0x58: {  	_ =	shalt  }
0x59: {  	_ =	shalt  }
0x5a: {  	_ =	shalt  }
0x5b: {  	_ =	shalt  }
0x5c: {  	_ =	shalt  }
0x5d: {  	_ =	shalt  }
0x5e: {  	_ =	shalt  }
0x5f: {  	_ =	shalt  }
0x60: {  	_ =	shalt  }
0x61: {  	_ =	shalt  }
0x62: {  	_ =	shalt  }
0x63: {  	_ =	shalt  }
0x64: {  	_ =	shalt  }
0x65: {  	_ =	shalt  }
0x66: {  	_ =	shalt  }
0x67: {  	_ =	shalt  }
0x68: {  	_ =	shalt  }
0x69: {  	_ =	shalt  }
0x6a: {  	_ =	shalt  }
0x6b: {  	_ =	shalt  }
0x6c: {  	_ =	shalt  }
0x6d: {  	_ =	shalt  }
0x6e: {  	_ =	shalt  }
0x6f: {  	_ =	shalt  }
0x70: {  	_ =	shalt  }
0x71: {  	_ =	shalt  }
0x72: {  	_ =	shalt  }
0x73: {  	_ =	shalt  }
0x74: {  	_ =	shalt  }
0x75: {  	_ =	shalt  }
0x76: {  	_ =	shalt  }
0x77: {  	_ =	shalt  }
0x78: {  	_ =	shalt  }
0x79: {  	_ =	shalt  }
0x7a: {  	_ =	shalt  }
0x7b: {  	_ =	shalt  }
0x7c: {  	_ =	shalt  }
0x7d: {  	_ =	shalt  }
0x7e: {  	_ =	shalt  }
0x7f: {  	_ =	shalt  }
0x80: {  	_ =	shalt  }
0x81: {  	_ =	shalt  }
0x82: {  	_ =	shalt  }
0x83: {  	_ =	shalt  }
0x84: {  	_ =	shalt  }
0x85: {  	_ =	shalt  }
0x86: {  	_ =	shalt  }
0x87: {  	_ =	shalt  }
.Lfunc_end0:
.L_simem_size_0:
called_computation.1_lowered:
.L_overlay_start_0:
0x88: {  	s2 =	sld [smem:$0x3FD9]  }
0x89: {  	s3 =	sld [smem:$0x3FFE];
	_ =	sdelay $0x1  }
0x8a: {  	s1 =	srdreg.scid  }
0x8b: {  	s0 =	sand.u32 $0x1, s1  }
0x8c: {  	s17 =	sshll.u32 s0, $0xA;
	s2 =	sadd.s32 s3, s2  }
0x8d: {  	s2 =	sadd.s32 s2, s17  }
0x8e: {  	[smem:$0x3FC2] =	sst s2  }
0x8f: {  	_ = 	snop  }
0x90: {  	s2 =	sld [smem:$0x3FD0];
	(tm) =	ssettm $0x1  }
0x91: {  	s18 =	sld [smem:$0x3FFB];
	_ =	sdelay $0x3  }
0x92: {  	_ =	strace s18  }
0x93: {  	s3 =	sld [smem:$0x3FFC];
	_ =	sdelay $0x3  }
0x94: {  	_ =	strace s3  }
0x95: {  	s3 =	sld [smem:$0x3FFD];
	_ =	sdelay $0x3  }
0x96: {  	_ =	strace s3  }
0x97: {  	_ =	strace $0x8FFFFFFF  }
0x98: {  	s19 =	sld [smem:$0x3FDB];
	_ =	sdelay $0x1  }
0x99: {  	s4 =	simm.s32 $_scs_section_size  }
0x9a: {  	s5 =	simm.s32 $_size__tile_overlayer_lowered;
	s6 =	simm.s32 $_tile_overlayer_lowered  }
0x9b: {  	s22 =	simm.s32 $0x1BFF;
	s21 =	sshll.u32 s6, $0x1;
	s3 =	sadd.s32 s4, s19  }
0x9c: {  	s7 =	simm.s32 $0x0;
	s20 =	sshll.u32 s5, $0x1;
	s5 =	sadd.s32 s21, s3  }
0x9d: {  	[timem:s7], [sflag:s22] =	dma.local [hbm:s5], s20  }
0x9e: {  	_ =	swait.ge [sflag:s22], s20  }
0x9f: {  	s4 =	ssub.s32 $0x0, s20;
	[sflag:s22] =	ssyncset.done $0x0  }
0xa0: {  	[sflag:s22] =	ssyncadd.s32 s4;
	_ =	sdelay $0x1  }
0xa1: {  	s23 =	simm.s32 $0x1B8B  }
0xa2: {  	_ =	swait.ge [sflag:s23], $0x1  }
0xa3: {  	[sflag:s23] =	ssyncset.done $0x0  }
0xa4: {  	s25 =	simm.s32 $0x1B8E;
	s24 =	sld [smem:$0x3FFE];
	[sflag:s23] =	ssyncadd.s32 $0xFFFFFFFF  }
0xa5: {  	s26 =	simm.s32 $execute0_lowered;
	[smem:$0x3FD2] =	sst s25  }
0xa6: {  	s5 =	sshll.u32 s26, $0x1;
	_ =	strace $0x80000049;
	[dreg:$0x1] =	wrdreg $0xFFFFFFFF  }
0xa7: {  	s28 =	simm.s32 $_size_execute0_lowered;
	s3 =	sadd.s32 s3, s5;
	[dreg:$0x0] =	wrdreg $0x0  }
0xa8: {  	s5 =	sshll.u32 s28, $0x1;
	[dreg:$0x2] =	wrdreg s3  }
0xa9: {  	[dreg:$0x3] =	wrdreg s5  }
0xaa: {  	[dreg:$0x4] =	wrdreg $0xC0  }
0xab: {  	_ =	task [dreg:s7], $0x5FFFF  }
0xac: {  	[dreg:$0x1] =	wrdreg $0xFFFFFFFF  }
0xad: {  	[dreg:$0x0] =	wrdreg $0x60  }
0xae: {  	[dreg:$0x2] =	wrdreg s24  }
0xaf: {  	[dreg:$0x3] =	wrdreg s2  }
0xb0: {  	[dreg:$0x4] =	wrdreg $0xA8000  }
0xb1: {  	[dreg:$0x5] =	wrdreg $0x9  }
0xb2: {  	_ =	task.clear_ibuf [dreg:s7], $0x6FFFF;
	_ =	strace $0x90000049  }
0xb3: {  	s29 =	simm.s32 $0x9;
	_ =	strace $0x8000004B  }
0xb4: {  	_ =	swait.ge [sflag:s29], $0x1  }
0xb5: {  	[sflag:s29] =	ssyncadd.s32 $0xFFFFFFFF  }
0xb6: {  	_ =	strace $0x9000004B  }
0xb7: {  	_ =	sfence  }
0xb8: {  	s30 =	sld [smem:$0x0];
	_ =	sdelay $0x2  }
0xb9: {  	s31 =	sshll.u32 s1, $0xD;
	s1 =	sshrl.u32 s1, $0x2  }
0xba: {  	s3 =	sand.u32 $0x4000, s31;
	s1 =	sadd.s32 s1, s30  }
0xbb: {  	s0 =	sor.u32 s3, s0;
	s1 =	sshll.u32 s1, $0x11  }
0xbc: {  	s0 =	sor.u32 s1, s0  }
0xbd: {  	s0 =	sadd.s32 $0x8F2B, s0  }
0xbe: {  	[sflag:s0] =	ssyncadd.remote.s32 $0x1  }
0xbf: {  	_ =	sfence.sel $0xFFFF  }
0xc0: {  	[dreg:$0x0] =	wrdreg $0xFFFFFFFF;
	(pc) =	sbr.abs _section_cstart, $3  }
0xc1: {  	[dreg:$0x1] =	wrdreg $0xFFFFFFFF  }
0xc2: {  	_ =	task.clear_ibuf [dreg:s7], $0x2FFFF;
	_ =	strace $0x9FFFFFFF  }
0xc3: {  	(tm) =	ssettm $0x7FFFFFFF  }
tec
execute0_lowered:
.L_overlay_start_1:
0x0: {  	(tag) =	ssettag $0x1  }
0x1: {  	s6 =	rddreg [dreg:$0x0]  }
0x2: {  	s9 =	rddreg [dreg:$0x1]  }
0x3: {  	s1 =	rddreg [dreg:$0x2];
	s2 =	srdreg.scid  }
0x4: {  	s0 =	rddreg [dreg:$0x3];
	s3 =	simm.s32 $0x0;
	s15 =	simm.s32 $0x1400  }
0x5: {  	s16 =	simm.s32 $0x80;
	s17 =	simm.s32 $0x2800;
	s18 =	simm.s32 $0x6800  }
0x6: {  	s19 =	simm.s32 $0x1;
	s20 =	simm.s32 $0x2;
	s21 =	simm.s32 $0x1380  }
0x7: {  	s22 =	simm.s32 $0x2700;
	s5 =	sand.u32 $0x1, s2;
	s2 =	stileid.u32  }
0x8: {  	[smem:$0x7FF] =	sst s3;
	s4 =	sadd.s32 $0x60600, s6;
	s7 =	smul.u32 $0x140000, s5  }
0x9: {  	s10 =	sadd.s32 $0x3600, s6;
	s8 =	smul.u32 $0x14000, s2;
	_ =	strace $0x8000004A  }
0xa: {  	s23 =	sshll.u32 s5, $0x4;
	s11 =	ssub.s32 $0x2, s5;
	s25 =	smul.u32 $0x50000, s2  }
0xb: {  	s5 =	sadd.s32 $0xDE00, s6;
	s28 =	sshll.u32 s2, $0x6;
	s24 =	sor.u32 s2, s23  }
0xc: {  	s12 =	sshrl.u32 s11, $0x1;
	s23 =	simm.s32 $0x2780;
	s7 =	sadd.s32 s8, s7  }
0xd: {  	s13 =	smul.u32 $0x2800, s24;
	s12 =	ssub.s32 s11, s12;
	s26 =	sshrl.u32 s25, $0x2  }
0xe: {  	s24 =	simm.s32 $0x0;
	s7 =	sshrl.u32 s7, $0x3;
	s30 =	sadd.s32 s26, s1  }
0xf: {  	s12 =	smax.u32 s12, $0x1;
	s14 =	sadd.s32 s7, s6;
	s29 =	sshrl.u32 s13, $0x3  }
0x10: {  	s6 =	sor.u32 $0x1C03, s28;
	s13 =	sshrl.u32 s30, $0x3;
	s31 =	sadd.s32 $0x280, s29  }
0x11: {  	s7 =	sadd.s32 s9, s29;
	s8 =	sadd.s32 s10, s29;
	s11 =	sadd.s32 $0x88600, s14  }
0x12: {  	s14 =	simm.s32 $0x3;
	s9 =	sadd.s32 s9, s31;
	s10 =	sadd.s32 s10, s31  }
.LBB2_1:
0x13: {  	[spmem:s13], [sflag:s6] =	dma.local [hbm:s5], $0x2800  }
0x14: {  	_ =	swait.ge [sflag:s14], $0x2800  }
0x15: {  	[sflag:s14] =	ssyncset.done $0x0  }
0x16: {  	[sflag:s14] =	ssyncadd.s32 $0xFFFFD800  }
0x17: {  	[bflag:$0x0] =	sbarrier.arrive $0xFFFF  }
0x18: {  	[tilespmem:s3], [sflag:$0x3] =	stream.linear.gather [hbm4b:s7+s3], $0x1400, $0x38;
	[tilespmem:$0x1E800] =	vst v63  }
0x19: {  	_ =	swait.ge [sflag:s14], $0x1400  }
0x1a: {  	[sflag:s14] =	ssyncset.done $0x0  }
0x1b: {  	[sflag:s14] =	ssyncadd.s32 $0xFFFFEC00  }
0x1c: {  	[tilespmem:s15], [sflag:$0x3] =	stream.linear.gather [hbm4b:s8+s3], $0x1400, $0x38;
	[tilespmem:$0x1E800] =	vst v63  }
0x1d: {  	_ =	swait.ge [sflag:s14], $0x1400  }
0x1e: {  	[sflag:s14] =	ssyncset.done $0x0  }
0x1f: {  	[sflag:s14] =	ssyncadd.s32 $0xFFFFEC00  }
0x20: {  	[tilespmem:s17], [sflag:$0x1] =	stream.indirect.gather [hbm4b:s4+s16], $0x80, s3, s16, $0xb8;
	[tilespmem:$0x1E800] =	vst v63  }
0x21: {  	s25 =	simm.s32 $0x80  }
0x22: {  	[tilespmem:s18], [sflag:$0x2] =	stream.indirect.gather [hbm4b:s4+s16], $0x80, s25, s16, $0xb8;
	[tilespmem:$0x1E800] =	vst v63  }
0x23: {  	_ =	swait.ge [sflag:s19], $0x4000  }
0x24: {  	[sflag:s19] =	ssyncset.done $0x0  }
0x25: {  	s29 =	simm.s32 $0x1400;
	[sflag:s19] =	ssyncadd.s32 $0xFFFFC000  }
0x26: {  	[spmem:s1] =	stream.indirect.scatter.add.f32 [tilespmem:s17], [sflag:$0x3], $0x80, s29, s16, $0xb8;
	[tilespmem:$0x1E800] =	vst v63  }
0x27: {  	_ =	swait.ge [sflag:s14], $0x4000  }
0x28: {  	[sflag:s14] =	ssyncset.done $0x0  }
0x29: {  	s30 =	simm.s32 $0x100;
	[sflag:s14] =	ssyncadd.s32 $0xFFFFC000  }
0x2a: {  	[tilespmem:s17], [sflag:$0x1] =	stream.indirect.gather [hbm4b:s4+s16], $0x80, s30, s16, $0xb8;
	[tilespmem:$0x1E800] =	vst v63  }
0x2b: {  	_ =	swait.ge [sflag:s20], $0x4000  }
0x2c: {  	[sflag:s20] =	ssyncset.done $0x0  }
0x2d: {  	s31 =	simm.s32 $0x1480;
	[sflag:s20] =	ssyncadd.s32 $0xFFFFC000  }
0x2e: {  	[spmem:s1] =	stream.indirect.scatter.add.f32 [tilespmem:s18], [sflag:$0x3], $0x80, s31, s16, $0xb8;
	[tilespmem:$0x1E800] =	vst v63  }
0x2f: {  	_ =	swait.ge [sflag:s14], $0x4000  }
0x30: {  	s26 =	simm.s32 $0x800;
	s25 =	simm.s32 $0x100;
	[sflag:s14] =	ssyncset.done $0x0  }
.LBB2_2:
0x31: {  	s28 =	sadd.s32 $0x80, s25  }
0x32: {  	[sflag:s14] =	ssyncadd.s32 $0xFFFFC000;
	s29 =	smov.u32 s26;
	s30 =	sadd.s32 $0x400, s26  }
0x33: {  	[tilespmem:s18], [sflag:$0x2] =	stream.indirect.gather [hbm4b:s4+s16], $0x80, s28, s16, $0xb8;
	[tilespmem:$0x1E800] =	vst v63  }
0x34: {  	p0 =	sne.s32 s26, $0x4800;
	_ =	swait.ge [sflag:s19], $0x4000  }
0x35: {  	[sflag:s19] =	ssyncset.done $0x0  }
0x36: {  	s26 =	sadd.s32 $0x1400, s25;
	[sflag:s19] =	ssyncadd.s32 $0xFFFFC000  }
0x37: {  	[spmem:s1] =	stream.indirect.scatter.add.f32 [tilespmem:s17], [sflag:$0x3], $0x80, s26, s16, $0xb8;
	[tilespmem:$0x1E800] =	vst v63  }
0x38: {  	_ =	swait.ge [sflag:s14], $0x4000  }
0x39: {  	[sflag:s14] =	ssyncset.done $0x0  }
0x3a: {  	s26 =	sadd.s32 $0x100, s25;
	[sflag:s14] =	ssyncadd.s32 $0xFFFFC000  }
0x3b: {  	[tilespmem:s17], [sflag:$0x1] =	stream.indirect.gather [hbm4b:s4+s16], $0x80, s26, s16, $0xb8;
	[tilespmem:$0x1E800] =	vst v63  }
0x3c: {  	_ =	swait.ge [sflag:s20], $0x4000  }
.Ltmp0:
0x3d: {  	[sflag:s20] =	ssyncset.done $0x0;
	(pc) =	sbr.rel @p0 .LBB2_2-.Ltmp0, $4  }
0x3e: {  	s25 =	sadd.s32 $0x1480, s25;
	[sflag:s20] =	ssyncadd.s32 $0xFFFFC000  }
0x3f: {  	[spmem:s1] =	stream.indirect.scatter.add.f32 [tilespmem:s18], [sflag:$0x3], $0x80, s25, s16, $0xb8;
	[tilespmem:$0x1E800] =	vst v63  }
0x40: {  	_ =	swait.ge [sflag:s14], $0x4000  }
0x41: {  	s26 =	smov.u32 s30;
	s25 =	sshra.s32 s29, $0x2;
	[sflag:s14] =	ssyncset.done $0x0  }
0x42: {  	s26 =	sadd.s32 $0x80, s25;
	[sflag:s14] =	ssyncadd.s32 $0xFFFFC000  }
0x43: {  	[tilespmem:s18], [sflag:$0x2] =	stream.indirect.gather [hbm4b:s4+s16], $0x80, s26, s16, $0xb8;
	[tilespmem:$0x1E800] =	vst v63  }
0x44: {  	_ =	swait.ge [sflag:s19], $0x4000  }
0x45: {  	[sflag:s19] =	ssyncset.done $0x0  }
0x46: {  	s29 =	sadd.s32 $0x1400, s25;
	[sflag:s19] =	ssyncadd.s32 $0xFFFFC000  }
0x47: {  	[spmem:s1] =	stream.indirect.scatter.add.f32 [tilespmem:s17], [sflag:$0x3], $0x80, s29, s16, $0xb8;
	[tilespmem:$0x1E800] =	vst v63  }
0x48: {  	_ =	swait.ge [sflag:s14], $0x4000  }
0x49: {  	[sflag:s14] =	ssyncset.done $0x0  }
0x4a: {  	s30 =	sadd.s32 $0x100, s25;
	[sflag:s14] =	ssyncadd.s32 $0xFFFFC000  }
0x4b: {  	[tilespmem:s17], [sflag:$0x1] =	stream.indirect.gather [hbm4b:s4+s16], $0x80, s30, s16, $0xb8;
	[tilespmem:$0x1E800] =	vst v63  }
0x4c: {  	_ =	swait.ge [sflag:s20], $0x4000  }
0x4d: {  	[sflag:s20] =	ssyncset.done $0x0  }
0x4e: {  	s31 =	sadd.s32 $0x1480, s25;
	[sflag:s20] =	ssyncadd.s32 $0xFFFFC000  }
0x4f: {  	[spmem:s1] =	stream.indirect.scatter.add.f32 [tilespmem:s18], [sflag:$0x3], $0x80, s31, s16, $0xb8;
	[tilespmem:$0x1E800] =	vst v63  }
0x50: {  	_ =	swait.ge [sflag:s14], $0x4000  }
0x51: {  	[sflag:s14] =	ssyncset.done $0x0  }
0x52: {  	[sflag:s14] =	ssyncadd.s32 $0xFFFFC000  }
0x53: {  	[tilespmem:s18], [sflag:$0x2] =	stream.indirect.gather [hbm4b:s4+s16], $0x80, s21, s16, $0xb8;
	[tilespmem:$0x1E800] =	vst v63  }
0x54: {  	_ =	swait.ge [sflag:s19], $0x4000  }
0x55: {  	[sflag:s19] =	ssyncset.done $0x0  }
0x56: {  	[sflag:s19] =	ssyncadd.s32 $0xFFFFC000  }
0x57: {  	[spmem:s1] =	stream.indirect.scatter.add.f32 [tilespmem:s17], [sflag:$0x3], $0x80, s22, s16, $0xb8;
	[tilespmem:$0x1E800] =	vst v63  }
0x58: {  	_ =	swait.ge [sflag:s14], $0x4000  }
0x59: {  	[sflag:s14] =	ssyncset.done $0x0  }
0x5a: {  	[sflag:s14] =	ssyncadd.s32 $0xFFFFC000  }
0x5b: {  	_ =	swait.ge [sflag:s20], $0x4000  }
0x5c: {  	[sflag:s20] =	ssyncset.done $0x0  }
0x5d: {  	[sflag:s20] =	ssyncadd.s32 $0xFFFFC000  }
0x5e: {  	[spmem:s1] =	stream.indirect.scatter.add.f32 [tilespmem:s18], [sflag:$0x3], $0x80, s23, s16, $0xb8;
	[tilespmem:$0x1E800] =	vst v63  }
0x5f: {  	_ =	swait.ge [sflag:s14], $0x4000  }
0x60: {  	[sflag:s14] =	ssyncset.done $0x0  }
0x61: {  	s26 =	simm.s32 $0x0;
	[sflag:s14] =	ssyncadd.s32 $0xFFFFC000  }
0x62: {  	[tilespmem:s26], [sflag:$0x3] =	stream.linear.gather [hbm4b:s9+s26], $0x1400, $0x38;
	[tilespmem:$0x1E800] =	vst v63  }
0x63: {  	_ =	swait.ge [sflag:s14], $0x1400  }
0x64: {  	[sflag:s14] =	ssyncset.done $0x0  }
0x65: {  	[sflag:s14] =	ssyncadd.s32 $0xFFFFEC00  }
0x66: {  	[tilespmem:s15], [sflag:$0x3] =	stream.linear.gather [hbm4b:s10+s26], $0x1400, $0x38;
	[tilespmem:$0x1E800] =	vst v63  }
0x67: {  	_ =	swait.ge [sflag:s14], $0x1400  }
0x68: {  	[sflag:s14] =	ssyncset.done $0x0  }
0x69: {  	[sflag:s14] =	ssyncadd.s32 $0xFFFFEC00  }
0x6a: {  	[tilespmem:s17], [sflag:$0x1] =	stream.indirect.gather [hbm4b:s4+s16], $0x80, s26, s16, $0xb8;
	[tilespmem:$0x1E800] =	vst v63  }
0x6b: {  	s28 =	simm.s32 $0x80  }
0x6c: {  	[tilespmem:s18], [sflag:$0x2] =	stream.indirect.gather [hbm4b:s4+s16], $0x80, s28, s16, $0xb8;
	[tilespmem:$0x1E800] =	vst v63  }
0x6d: {  	_ =	swait.ge [sflag:s19], $0x4000  }
0x6e: {  	[sflag:s19] =	ssyncset.done $0x0  }
0x6f: {  	s29 =	simm.s32 $0x1400;
	[sflag:s19] =	ssyncadd.s32 $0xFFFFC000  }
0x70: {  	[spmem:s1] =	stream.indirect.scatter.add.f32 [tilespmem:s17], [sflag:$0x3], $0x80, s29, s16, $0xb8;
	[tilespmem:$0x1E800] =	vst v63  }
0x71: {  	_ =	swait.ge [sflag:s14], $0x4000  }
0x72: {  	[sflag:s14] =	ssyncset.done $0x0  }
0x73: {  	s30 =	simm.s32 $0x100;
	[sflag:s14] =	ssyncadd.s32 $0xFFFFC000  }
0x74: {  	[tilespmem:s17], [sflag:$0x1] =	stream.indirect.gather [hbm4b:s4+s16], $0x80, s30, s16, $0xb8;
	[tilespmem:$0x1E800] =	vst v63  }
0x75: {  	_ =	swait.ge [sflag:s20], $0x4000  }
0x76: {  	[sflag:s20] =	ssyncset.done $0x0  }
0x77: {  	s31 =	simm.s32 $0x1480;
	[sflag:s20] =	ssyncadd.s32 $0xFFFFC000  }
0x78: {  	[spmem:s1] =	stream.indirect.scatter.add.f32 [tilespmem:s18], [sflag:$0x3], $0x80, s31, s16, $0xb8;
	[tilespmem:$0x1E800] =	vst v63  }
0x79: {  	_ =	swait.ge [sflag:s14], $0x4000  }
0x7a: {  	s25 =	simm.s32 $0x100;
	s26 =	simm.s32 $0x800;
	[sflag:s14] =	ssyncset.done $0x0  }
.LBB2_4:
0x7b: {  	s28 =	sadd.s32 $0x80, s25  }
0x7c: {  	[sflag:s14] =	ssyncadd.s32 $0xFFFFC000;
	s29 =	smov.u32 s26;
	s30 =	sadd.s32 $0x400, s26  }
0x7d: {  	[tilespmem:s18], [sflag:$0x2] =	stream.indirect.gather [hbm4b:s4+s16], $0x80, s28, s16, $0xb8;
	[tilespmem:$0x1E800] =	vst v63  }
0x7e: {  	p0 =	sne.s32 s26, $0x4800;
	_ =	swait.ge [sflag:s19], $0x4000  }
0x7f: {  	[sflag:s19] =	ssyncset.done $0x0  }
0x80: {  	s26 =	sadd.s32 $0x1400, s25;
	[sflag:s19] =	ssyncadd.s32 $0xFFFFC000  }
0x81: {  	[spmem:s1] =	stream.indirect.scatter.add.f32 [tilespmem:s17], [sflag:$0x3], $0x80, s26, s16, $0xb8;
	[tilespmem:$0x1E800] =	vst v63  }
0x82: {  	_ =	swait.ge [sflag:s14], $0x4000  }
0x83: {  	[sflag:s14] =	ssyncset.done $0x0  }
0x84: {  	s26 =	sadd.s32 $0x100, s25;
	[sflag:s14] =	ssyncadd.s32 $0xFFFFC000  }
0x85: {  	[tilespmem:s17], [sflag:$0x1] =	stream.indirect.gather [hbm4b:s4+s16], $0x80, s26, s16, $0xb8;
	[tilespmem:$0x1E800] =	vst v63  }
0x86: {  	_ =	swait.ge [sflag:s20], $0x4000  }
.Ltmp1:
0x87: {  	[sflag:s20] =	ssyncset.done $0x0;
	(pc) =	sbr.rel @p0 .LBB2_4-.Ltmp1, $4  }
0x88: {  	s25 =	sadd.s32 $0x1480, s25;
	[sflag:s20] =	ssyncadd.s32 $0xFFFFC000  }
0x89: {  	[spmem:s1] =	stream.indirect.scatter.add.f32 [tilespmem:s18], [sflag:$0x3], $0x80, s25, s16, $0xb8;
	[tilespmem:$0x1E800] =	vst v63  }
0x8a: {  	_ =	swait.ge [sflag:s14], $0x4000  }
0x8b: {  	s26 =	smov.u32 s30;
	s25 =	sshra.s32 s29, $0x2;
	[sflag:s14] =	ssyncset.done $0x0  }
0x8c: {  	s26 =	sadd.s32 $0x80, s25;
	[sflag:s14] =	ssyncadd.s32 $0xFFFFC000  }
0x8d: {  	[tilespmem:s18], [sflag:$0x2] =	stream.indirect.gather [hbm4b:s4+s16], $0x80, s26, s16, $0xb8;
	[tilespmem:$0x1E800] =	vst v63  }
0x8e: {  	_ =	swait.ge [sflag:s19], $0x4000  }
0x8f: {  	[sflag:s19] =	ssyncset.done $0x0  }
0x90: {  	s29 =	sadd.s32 $0x1400, s25;
	[sflag:s19] =	ssyncadd.s32 $0xFFFFC000  }
0x91: {  	[spmem:s1] =	stream.indirect.scatter.add.f32 [tilespmem:s17], [sflag:$0x3], $0x80, s29, s16, $0xb8;
	[tilespmem:$0x1E800] =	vst v63  }
0x92: {  	_ =	swait.ge [sflag:s14], $0x4000  }
0x93: {  	[sflag:s14] =	ssyncset.done $0x0  }
0x94: {  	s30 =	sadd.s32 $0x100, s25;
	[sflag:s14] =	ssyncadd.s32 $0xFFFFC000  }
0x95: {  	[tilespmem:s17], [sflag:$0x1] =	stream.indirect.gather [hbm4b:s4+s16], $0x80, s30, s16, $0xb8;
	[tilespmem:$0x1E800] =	vst v63  }
0x96: {  	_ =	swait.ge [sflag:s20], $0x4000  }
0x97: {  	[sflag:s20] =	ssyncset.done $0x0  }
0x98: {  	s31 =	sadd.s32 $0x1480, s25;
	[sflag:s20] =	ssyncadd.s32 $0xFFFFC000  }
0x99: {  	[spmem:s1] =	stream.indirect.scatter.add.f32 [tilespmem:s18], [sflag:$0x3], $0x80, s31, s16, $0xb8;
	[tilespmem:$0x1E800] =	vst v63  }
0x9a: {  	_ =	swait.ge [sflag:s14], $0x4000  }
0x9b: {  	[sflag:s14] =	ssyncset.done $0x0  }
0x9c: {  	[sflag:s14] =	ssyncadd.s32 $0xFFFFC000  }
0x9d: {  	[tilespmem:s18], [sflag:$0x2] =	stream.indirect.gather [hbm4b:s4+s16], $0x80, s21, s16, $0xb8;
	[tilespmem:$0x1E800] =	vst v63  }
0x9e: {  	_ =	swait.ge [sflag:s19], $0x4000  }
0x9f: {  	[sflag:s19] =	ssyncset.done $0x0  }
0xa0: {  	[sflag:s19] =	ssyncadd.s32 $0xFFFFC000  }
0xa1: {  	[spmem:s1] =	stream.indirect.scatter.add.f32 [tilespmem:s17], [sflag:$0x3], $0x80, s22, s16, $0xb8;
	[tilespmem:$0x1E800] =	vst v63  }
0xa2: {  	_ =	swait.ge [sflag:s14], $0x4000  }
0xa3: {  	[sflag:s14] =	ssyncset.done $0x0  }
0xa4: {  	[sflag:s14] =	ssyncadd.s32 $0xFFFFC000  }
0xa5: {  	_ =	swait.ge [sflag:s20], $0x4000  }
0xa6: {  	[sflag:s20] =	ssyncset.done $0x0  }
0xa7: {  	[sflag:s20] =	ssyncadd.s32 $0xFFFFC000  }
0xa8: {  	[spmem:s1] =	stream.indirect.scatter.add.f32 [tilespmem:s18], [sflag:$0x3], $0x80, s23, s16, $0xb8;
	[tilespmem:$0x1E800] =	vst v63  }
0xa9: {  	_ =	swait.ge [sflag:s14], $0x4000  }
0xaa: {  	s24 =	sadd.s32 $0x1, s24;
	[sflag:s14] =	ssyncset.done $0x0  }
0xab: {  	p0 =	sne.s32 s24, s12;
	[sflag:s14] =	ssyncadd.s32 $0xFFFFC000  }
.Ltmp2:
0xac: {  	[bflag:$0x0] =	sbarrier.arrive $0xFFFF;
	(pc) =	sbr.rel @p0 .LBB2_1-.Ltmp2, $4  }
0xad: {  	[hbm:s11], [sflag:s6] =	dma.local [spmem:s13], $0x2800  }
0xae: {  	_ =	swait.ge [sflag:s14], $0x2800  }
0xaf: {  	[sflag:s14] =	ssyncset.done $0x0  }
0xb0: {  	[sflag:s14] =	ssyncadd.s32 $0xFFFFD800  }
0xb1: {  	_ =	sfence.sel $0x180000  }
0xb2: {  	[bflag:$0x0] =	sbarrier.arrive $0xFFFF  }
0xb3: {  	p0 =	sne.s32 s2, $0x0;
	_ =	strace $0x9000004A  }
0xb4: {  	s0 =	sadd.s32 @!p0 $0x100000, s0;
	[bflag:$0x2] =	sbarrier.arrive $0xFFFF  }
0xb5: {  	[sflag:s0] =	ssyncadd.tile.s32 @!p0 $0x1;
	_ =	shalt  }
.Lfunc_end2:
_tile_overlayer_lowered:
.L_overlay_start_2:
0xb6: {  	(tag) =	ssettag $0x2  }
0xb7: {  	s0 =	rddreg [dreg:$0x0];
	s2 =	stileid.u32  }
0xb8: {  	s1 =	rddreg [dreg:$0x1];
	p0 =	sne.s32 s2, $0x0  }
0xb9: {  	s3 =	rddreg [dreg:$0x2];
	[bflag:$0x3] =	sbarrier.arrive $0xFFFF;
	s2 =	simm.s32 @!p0 $0x1C03  }
0xba: {  	[timem:s3], [sflag:s2] =	dma.local @!p0 [hbm:s0], s1  }
0xbb: {  	s0 =	simm.s32 @!p0 $0x3  }
0xbc: {  	_ =	swait.ge @!p0 [sflag:s0], s1  }
0xbd: {  	s1 =	ssub.s32 @!p0 $0x0, s1;
	[sflag:s0] =	ssyncset.done @!p0 $0x0  }
0xbe: {  	[sflag:s0] =	ssyncadd.s32 @!p0 s1  }
0xbf: {  	[bflag:$0x3] =	sbarrier.arrive $0xFFFF  }
0xc0: {  	_ =	shalt  }

// kernel: kernel.14.cloned.1.call-start
scs
__scs_entry_jumppad:
0x0: {  	(pc) =	sbr.rel $0x88, $3  }
0x1: {  	(tag) =	ssettag $0x0;
	lr =	simm.s32 $0x1  }
0x2: {  	[smem:$0x3F9B] =	sst lr;
	_ =	strace $0xD0000000  }
0x3: {  	_ = 	snop  }
0x4: {  	_ = 	snop  }
0x5: {  	_ = 	snop  }
0x6: {  	_ = 	snop  }
0x7: {  	_ = 	snop  }
__scs_overlays_trampoline_lowered:
0x8: {  	[smem:$0x3FAA] =	sst s0  }
0x9: {  	[smem:$0x3FAB] =	sst s1  }
0xa: {  	[smem:$0x3FAC] =	sst s2  }
0xb: {  	[smem:$0x3FAD] =	sst s3  }
0xc: {  	[smem:$0x3FAE] =	sst s4  }
0xd: {  	[smem:$0x3FAF] =	sst s5  }
0xe: {  	[smem:$0x3FB0] =	sst s6  }
0xf: {  	[smem:$0x3FB1] =	sst s7  }
0x10: {  	[smem:$0x3FB2] =	sst s8  }
0x11: {  	[smem:$0x3FB3] =	sst s9;
	s0 =	simm.s32 @!p0 $0x0  }
0x12: {  	s1 =	sld [smem:$0x3F99];
	s0 =	simm.s32 @p0 $0x1  }
0x13: {  	[smem:$0x3FB4] =	sst s0;
	s0 =	simm.s32 @!p1 $0x0  }
0x14: {  	s2 =	sld [smem:$0x3F98];
	s0 =	simm.s32 @p1 $0x1  }
0x15: {  	[smem:$0x3FB5] =	sst s0;
	s0 =	simm.s32 @!p2 $0x0  }
0x16: {  	s3 =	sld [smem:$0x3FDB];
	s0 =	simm.s32 @p2 $0x1  }
0x17: {  	s4 =	simm.s32 $0x1BF5;
	[smem:$0x3FB7] =	sst s0  }
0x18: {  	s0 =	sld [smem:$0x3F9A];
	_ =	swait.ge [sflag:s4], $0x0  }
0x19: {  	s7 =	sld [smem:$0x3F9B]  }
0x1a: {  	s8 =	sadd.s32 $0xFFFFE003, lr  }
0x1b: {  	s9 =	sadd.s32 $0xFFFFFEF7, lr;
	s5 =	simm.s32 $0xFFFFFFFF;
	p2 =	slt.u32 s8, $0xFFFFF086  }
0x1c: {  	p1 =	slt.u32 s9, $0xF7A;
	s5 =	simm.s32 @!p2 $0x0  }
0x1d: {  	s5 =	simm.s32 @p1 $0x1;
	p0 =	seq.s32 s7, s2  }
0x1e: {  	s7 =	smul.u32 @!p0 $0xF7A, s2;
	p2 =	seq.s32 @!p0 s5, $0x0  }
0x1f: {  	s9 =	smul.u32 $0xF7A, s1;
	s8 =	simm.s32 @!p0 $0x1BF5;
	p2 =	por !p2, p0  }
0x20: {  	[sflag:s8] =	ssyncset.s32 @!p0 $0xFFFFF086;
	s6 =	sadd.s32 @!p0 s3, s7;
	s7 =	simm.s32 @!p0 $0x108  }
0x21: {  	s3 =	sadd.s32 s3, s9;
	s6 =	sadd.s32 @!p0 $0x88, s6;
	s7 =	simm.s32 @p2 $0x1082  }
0x22: {  	[simem:s7], [sflag:s8] =	dma.local @!p0 [hbm:s6], $0xF7A  }
0x23: {  	s9 =	sor.u32 $0xD0000000, s2;
	s6 =	simm.s32 $0x108;
	_ =	swait.ge @!p0 [sflag:s8], $0x0  }
0x24: {  	s3 =	sadd.s32 $0x88, s3;
	s6 =	simm.s32 @!p1 $0x1082;
	[sflag:s4] =	ssyncset.s32 $0xFFFFF086  }
0x25: {  	[simem:s6], [sflag:s4] =	dma.local [hbm:s3], $0xF7A  }
0x26: {  	[smem:$0x3F9B] =	sst s1;
	(tag) =	ssettag s2;
	_ =	strace s9  }
0x27: {  	s1 =	sld [smem:$0x3FAB]  }
0x28: {  	s2 =	sld [smem:$0x3FAC]  }
0x29: {  	s4 =	sld [smem:$0x3FAE]  }
0x2a: {  	p0 =	seq.s32 s5, $0x0;
	s5 =	sld [smem:$0x3FAF]  }
0x2b: {  	s6 =	sld [smem:$0x3FB0]  }
0x2c: {  	s7 =	sld [smem:$0x3FB1]  }
0x2d: {  	s3 =	simm.s32 $0x108;
	s8 =	sld [smem:$0x3FB2]  }
0x2e: {  	s3 =	simm.s32 @!p0 $0x1082;
	s9 =	sld [smem:$0x3FB3]  }
0x2f: {  	lr =	sadd.s32 s0, s3;
	s0 =	sld [smem:$0x3FAA]  }
0x30: {  	s3 =	sld [smem:$0x3FAD]  }
0x31: {  	[smem:$0x3FB6] =	sst s10  }
0x32: {  	s10 =	sld [smem:$0x3FB4];
	_ =	sdelay $0x3  }
0x33: {  	p0 =	seq.s32 s10, $0x1;
	s10 =	sld [smem:$0x3FB6];
	_ =	sdelay $0x3  }
0x34: {  	[smem:$0x3FB6] =	sst s10  }
0x35: {  	s10 =	sld [smem:$0x3FB5];
	_ =	sdelay $0x3  }
0x36: {  	p1 =	seq.s32 s10, $0x1;
	s10 =	sld [smem:$0x3FB6];
	_ =	sdelay $0x3  }
0x37: {  	[smem:$0x3FB6] =	sst s10  }
0x38: {  	s10 =	sld [smem:$0x3FB7]  }
0x39: {  	_ = 	snop;
	(pc) =	sbr.ind lr, $3  }
0x3a: {  	_ = 	snop  }
0x3b: {  	_ = 	snop  }
0x3c: {  	p2 =	seq.s32 s10, $0x1;
	s10 =	sld [smem:$0x3FB6]  }
0x3d: {  	_ =	shalt  }
0x3e: {  	_ =	shalt  }
0x3f: {  	_ =	shalt  }
0x40: {  	_ =	shalt  }
0x41: {  	_ =	shalt  }
0x42: {  	_ =	shalt  }
0x43: {  	_ =	shalt  }
0x44: {  	_ =	shalt  }
0x45: {  	_ =	shalt  }
0x46: {  	_ =	shalt  }
0x47: {  	_ =	shalt  }
0x48: {  	_ =	shalt  }
0x49: {  	_ =	shalt  }
0x4a: {  	_ =	shalt  }
0x4b: {  	_ =	shalt  }
0x4c: {  	_ =	shalt  }
0x4d: {  	_ =	shalt  }
0x4e: {  	_ =	shalt  }
0x4f: {  	_ =	shalt  }
0x50: {  	_ =	shalt  }
0x51: {  	_ =	shalt  }
0x52: {  	_ =	shalt  }
0x53: {  	_ =	shalt  }
0x54: {  	_ =	shalt  }
0x55: {  	_ =	shalt  }
0x56: {  	_ =	shalt  }
0x57: {  	_ =	shalt  }
0x58: {  	_ =	shalt  }
0x59: {  	_ =	shalt  }
0x5a: {  	_ =	shalt  }
0x5b: {  	_ =	shalt  }
0x5c: {  	_ =	shalt  }
0x5d: {  	_ =	shalt  }
0x5e: {  	_ =	shalt  }
0x5f: {  	_ =	shalt  }
0x60: {  	_ =	shalt  }
0x61: {  	_ =	shalt  }
0x62: {  	_ =	shalt  }
0x63: {  	_ =	shalt  }
0x64: {  	_ =	shalt  }
0x65: {  	_ =	shalt  }
0x66: {  	_ =	shalt  }
0x67: {  	_ =	shalt  }
0x68: {  	_ =	shalt  }
0x69: {  	_ =	shalt  }
0x6a: {  	_ =	shalt  }
0x6b: {  	_ =	shalt  }
0x6c: {  	_ =	shalt  }
0x6d: {  	_ =	shalt  }
0x6e: {  	_ =	shalt  }
0x6f: {  	_ =	shalt  }
0x70: {  	_ =	shalt  }
0x71: {  	_ =	shalt  }
0x72: {  	_ =	shalt  }
0x73: {  	_ =	shalt  }
0x74: {  	_ =	shalt  }
0x75: {  	_ =	shalt  }
0x76: {  	_ =	shalt  }
0x77: {  	_ =	shalt  }
0x78: {  	_ =	shalt  }
0x79: {  	_ =	shalt  }
0x7a: {  	_ =	shalt  }
0x7b: {  	_ =	shalt  }
0x7c: {  	_ =	shalt  }
0x7d: {  	_ =	shalt  }
0x7e: {  	_ =	shalt  }
0x7f: {  	_ =	shalt  }
0x80: {  	_ =	shalt  }
0x81: {  	_ =	shalt  }
0x82: {  	_ =	shalt  }
0x83: {  	_ =	shalt  }
0x84: {  	_ =	shalt  }
0x85: {  	_ =	shalt  }
0x86: {  	_ =	shalt  }
0x87: {  	_ =	shalt  }
.Lfunc_end0:
.L_simem_size_0:
called_computation.2_lowered:
.L_overlay_start_0:
0x88: {  	s2 =	sld [smem:$0x3FD9]  }
0x89: {  	s3 =	sld [smem:$0x3FFE];
	_ =	sdelay $0x1  }
0x8a: {  	s1 =	srdreg.scid  }
0x8b: {  	s0 =	sand.u32 $0x1, s1  }
0x8c: {  	s17 =	sshll.u32 s0, $0xA;
	s2 =	sadd.s32 s3, s2  }
0x8d: {  	s2 =	sadd.s32 s2, s17  }
0x8e: {  	[smem:$0x3FC2] =	sst s2  }
0x8f: {  	_ = 	snop  }
0x90: {  	s2 =	sld [smem:$0x3FD0];
	(tm) =	ssettm $0x1  }
0x91: {  	s18 =	sld [smem:$0x3FFB];
	_ =	sdelay $0x3  }
0x92: {  	_ =	strace s18  }
0x93: {  	s3 =	sld [smem:$0x3FFC];
	_ =	sdelay $0x3  }
0x94: {  	_ =	strace s3  }
0x95: {  	s3 =	sld [smem:$0x3FFD];
	_ =	sdelay $0x3  }
0x96: {  	_ =	strace s3  }
0x97: {  	_ =	strace $0x8FFFFFFF  }
0x98: {  	s19 =	sld [smem:$0x3FDB];
	_ =	sdelay $0x1  }
0x99: {  	s4 =	simm.s32 $_scs_section_size  }
0x9a: {  	s5 =	simm.s32 $_size__tile_overlayer_lowered;
	s6 =	simm.s32 $_tile_overlayer_lowered  }
0x9b: {  	s22 =	simm.s32 $0x1BFF;
	s21 =	sshll.u32 s6, $0x1;
	s3 =	sadd.s32 s4, s19  }
0x9c: {  	s7 =	simm.s32 $0x0;
	s20 =	sshll.u32 s5, $0x1;
	s5 =	sadd.s32 s21, s3  }
0x9d: {  	[timem:s7], [sflag:s22] =	dma.local [hbm:s5], s20  }
0x9e: {  	_ =	swait.ge [sflag:s22], s20  }
0x9f: {  	s4 =	ssub.s32 $0x0, s20;
	[sflag:s22] =	ssyncset.done $0x0  }
0xa0: {  	[sflag:s22] =	ssyncadd.s32 s4;
	_ =	sdelay $0x1  }
0xa1: {  	s23 =	simm.s32 $0x1B8B  }
0xa2: {  	_ =	swait.ge [sflag:s23], $0x1  }
0xa3: {  	[sflag:s23] =	ssyncset.done $0x0  }
0xa4: {  	s25 =	simm.s32 $0x1B8E;
	s24 =	sld [smem:$0x3FFE];
	[sflag:s23] =	ssyncadd.s32 $0xFFFFFFFF  }
0xa5: {  	s26 =	simm.s32 $execute0_lowered;
	[smem:$0x3FD2] =	sst s25  }
0xa6: {  	s5 =	sshll.u32 s26, $0x1;
	_ =	strace $0x8000004C;
	[dreg:$0x1] =	wrdreg $0xFFFFFFFF  }
0xa7: {  	s28 =	simm.s32 $_size_execute0_lowered;
	s3 =	sadd.s32 s3, s5;
	[dreg:$0x0] =	wrdreg $0x0  }
0xa8: {  	s5 =	sshll.u32 s28, $0x1;
	[dreg:$0x2] =	wrdreg s3  }
0xa9: {  	[dreg:$0x3] =	wrdreg s5  }
0xaa: {  	[dreg:$0x4] =	wrdreg $0xC0  }
0xab: {  	_ =	task [dreg:s7], $0x5FFFF  }
0xac: {  	[dreg:$0x1] =	wrdreg $0xFFFFFFFF  }
0xad: {  	[dreg:$0x0] =	wrdreg $0x60  }
0xae: {  	[dreg:$0x2] =	wrdreg s24  }
0xaf: {  	[dreg:$0x3] =	wrdreg s2  }
0xb0: {  	[dreg:$0x4] =	wrdreg $0xA8000  }
0xb1: {  	[dreg:$0x5] =	wrdreg $0x9  }
0xb2: {  	_ =	task.clear_ibuf [dreg:s7], $0x6FFFF;
	_ =	strace $0x9000004C  }
0xb3: {  	s29 =	simm.s32 $0x9;
	_ =	strace $0x8000004E  }
0xb4: {  	_ =	swait.ge [sflag:s29], $0x1  }
0xb5: {  	[sflag:s29] =	ssyncadd.s32 $0xFFFFFFFF  }
0xb6: {  	_ =	strace $0x9000004E  }
0xb7: {  	_ =	sfence  }
0xb8: {  	s30 =	sld [smem:$0x0];
	_ =	sdelay $0x2  }
0xb9: {  	s31 =	sshll.u32 s1, $0xD;
	s1 =	sshrl.u32 s1, $0x2  }
0xba: {  	s3 =	sand.u32 $0x4000, s31;
	s1 =	sadd.s32 s1, s30  }
0xbb: {  	s0 =	sor.u32 s3, s0;
	s1 =	sshll.u32 s1, $0x11  }
0xbc: {  	s0 =	sor.u32 s1, s0  }
0xbd: {  	s0 =	sadd.s32 $0x8F2B, s0  }
0xbe: {  	[sflag:s0] =	ssyncadd.remote.s32 $0x1  }
0xbf: {  	_ =	sfence.sel $0xFFFF  }
0xc0: {  	[dreg:$0x0] =	wrdreg $0xFFFFFFFF;
	(pc) =	sbr.abs _section_cstart, $3  }
0xc1: {  	[dreg:$0x1] =	wrdreg $0xFFFFFFFF  }
0xc2: {  	_ =	task.clear_ibuf [dreg:s7], $0x2FFFF;
	_ =	strace $0x9FFFFFFF  }
0xc3: {  	(tm) =	ssettm $0x7FFFFFFF  }
tec
execute0_lowered:
.L_overlay_start_1:
0x0: {  	(tag) =	ssettag $0x1  }
0x1: {  	s6 =	rddreg [dreg:$0x0]  }
0x2: {  	s9 =	rddreg [dreg:$0x1]  }
0x3: {  	s1 =	rddreg [dreg:$0x2];
	s2 =	srdreg.scid  }
0x4: {  	s0 =	rddreg [dreg:$0x3];
	s3 =	simm.s32 $0x0;
	s15 =	simm.s32 $0x1400  }
0x5: {  	s16 =	simm.s32 $0x80;
	s17 =	simm.s32 $0x2800;
	s18 =	simm.s32 $0x6800  }
0x6: {  	s19 =	simm.s32 $0x1;
	s20 =	simm.s32 $0x2;
	s21 =	simm.s32 $0x1380  }
0x7: {  	s22 =	simm.s32 $0x2700;
	s5 =	sand.u32 $0x1, s2;
	s2 =	stileid.u32  }
0x8: {  	[smem:$0x7FF] =	sst s3;
	s4 =	sadd.s32 $0x60600, s6;
	s7 =	smul.u32 $0x140000, s5  }
0x9: {  	s10 =	sadd.s32 $0x3600, s6;
	s8 =	smul.u32 $0x14000, s2;
	_ =	strace $0x8000004D  }
0xa: {  	s23 =	sshll.u32 s5, $0x4;
	s11 =	ssub.s32 $0x2, s5;
	s25 =	smul.u32 $0x50000, s2  }
0xb: {  	s5 =	sadd.s32 $0xDE00, s6;
	s28 =	sshll.u32 s2, $0x6;
	s24 =	sor.u32 s2, s23  }
0xc: {  	s12 =	sshrl.u32 s11, $0x1;
	s23 =	simm.s32 $0x2780;
	s7 =	sadd.s32 s8, s7  }
0xd: {  	s13 =	smul.u32 $0x2800, s24;
	s12 =	ssub.s32 s11, s12;
	s26 =	sshrl.u32 s25, $0x2  }
0xe: {  	s24 =	simm.s32 $0x0;
	s7 =	sshrl.u32 s7, $0x3;
	s30 =	sadd.s32 s26, s1  }
0xf: {  	s12 =	smax.u32 s12, $0x1;
	s14 =	sadd.s32 s7, s6;
	s29 =	sshrl.u32 s13, $0x3  }
0x10: {  	s6 =	sor.u32 $0x1C03, s28;
	s13 =	sshrl.u32 s30, $0x3;
	s31 =	sadd.s32 $0x280, s29  }
0x11: {  	s7 =	sadd.s32 s9, s29;
	s8 =	sadd.s32 s10, s29;
	s11 =	sadd.s32 $0x88600, s14  }
0x12: {  	s14 =	simm.s32 $0x3;
	s9 =	sadd.s32 s9, s31;
	s10 =	sadd.s32 s10, s31  }
.LBB2_1:
0x13: {  	[spmem:s13], [sflag:s6] =	dma.local [hbm:s5], $0x2800  }
0x14: {  	_ =	swait.ge [sflag:s14], $0x2800  }
0x15: {  	[sflag:s14] =	ssyncset.done $0x0  }
0x16: {  	[sflag:s14] =	ssyncadd.s32 $0xFFFFD800  }
0x17: {  	[bflag:$0x0] =	sbarrier.arrive $0xFFFF  }
0x18: {  	[tilespmem:s3], [sflag:$0x3] =	stream.linear.gather [hbm4b:s7+s3], $0x1400, $0x38;
	[tilespmem:$0x1E800] =	vst v63  }
0x19: {  	_ =	swait.ge [sflag:s14], $0x1400  }
0x1a: {  	[sflag:s14] =	ssyncset.done $0x0  }
0x1b: {  	[sflag:s14] =	ssyncadd.s32 $0xFFFFEC00  }
0x1c: {  	[tilespmem:s15], [sflag:$0x3] =	stream.linear.gather [hbm4b:s8+s3], $0x1400, $0x38;
	[tilespmem:$0x1E800] =	vst v63  }
0x1d: {  	_ =	swait.ge [sflag:s14], $0x1400  }
0x1e: {  	[sflag:s14] =	ssyncset.done $0x0  }
0x1f: {  	[sflag:s14] =	ssyncadd.s32 $0xFFFFEC00  }
0x20: {  	[tilespmem:s17], [sflag:$0x1] =	stream.indirect.gather [hbm4b:s4+s16], $0x80, s3, s16, $0xb8;
	[tilespmem:$0x1E800] =	vst v63  }
0x21: {  	s25 =	simm.s32 $0x80  }
0x22: {  	[tilespmem:s18], [sflag:$0x2] =	stream.indirect.gather [hbm4b:s4+s16], $0x80, s25, s16, $0xb8;
	[tilespmem:$0x1E800] =	vst v63  }
0x23: {  	_ =	swait.ge [sflag:s19], $0x4000  }
0x24: {  	[sflag:s19] =	ssyncset.done $0x0  }
0x25: {  	s29 =	simm.s32 $0x1400;
	[sflag:s19] =	ssyncadd.s32 $0xFFFFC000  }
0x26: {  	[spmem:s1] =	stream.indirect.scatter.add.f32 [tilespmem:s17], [sflag:$0x3], $0x80, s29, s16, $0xb8;
	[tilespmem:$0x1E800] =	vst v63  }
0x27: {  	_ =	swait.ge [sflag:s14], $0x4000  }
0x28: {  	[sflag:s14] =	ssyncset.done $0x0  }
0x29: {  	s30 =	simm.s32 $0x100;
	[sflag:s14] =	ssyncadd.s32 $0xFFFFC000  }
0x2a: {  	[tilespmem:s17], [sflag:$0x1] =	stream.indirect.gather [hbm4b:s4+s16], $0x80, s30, s16, $0xb8;
	[tilespmem:$0x1E800] =	vst v63  }
0x2b: {  	_ =	swait.ge [sflag:s20], $0x4000  }
0x2c: {  	[sflag:s20] =	ssyncset.done $0x0  }
0x2d: {  	s31 =	simm.s32 $0x1480;
	[sflag:s20] =	ssyncadd.s32 $0xFFFFC000  }
0x2e: {  	[spmem:s1] =	stream.indirect.scatter.add.f32 [tilespmem:s18], [sflag:$0x3], $0x80, s31, s16, $0xb8;
	[tilespmem:$0x1E800] =	vst v63  }
0x2f: {  	_ =	swait.ge [sflag:s14], $0x4000  }
0x30: {  	s26 =	simm.s32 $0x800;
	s25 =	simm.s32 $0x100;
	[sflag:s14] =	ssyncset.done $0x0  }
.LBB2_2:
0x31: {  	s28 =	sadd.s32 $0x80, s25  }
0x32: {  	[sflag:s14] =	ssyncadd.s32 $0xFFFFC000;
	s29 =	smov.u32 s26;
	s30 =	sadd.s32 $0x400, s26  }
0x33: {  	[tilespmem:s18], [sflag:$0x2] =	stream.indirect.gather [hbm4b:s4+s16], $0x80, s28, s16, $0xb8;
	[tilespmem:$0x1E800] =	vst v63  }
0x34: {  	p0 =	sne.s32 s26, $0x4800;
	_ =	swait.ge [sflag:s19], $0x4000  }
0x35: {  	[sflag:s19] =	ssyncset.done $0x0  }
0x36: {  	s26 =	sadd.s32 $0x1400, s25;
	[sflag:s19] =	ssyncadd.s32 $0xFFFFC000  }
0x37: {  	[spmem:s1] =	stream.indirect.scatter.add.f32 [tilespmem:s17], [sflag:$0x3], $0x80, s26, s16, $0xb8;
	[tilespmem:$0x1E800] =	vst v63  }
0x38: {  	_ =	swait.ge [sflag:s14], $0x4000  }
0x39: {  	[sflag:s14] =	ssyncset.done $0x0  }
0x3a: {  	s26 =	sadd.s32 $0x100, s25;
	[sflag:s14] =	ssyncadd.s32 $0xFFFFC000  }
0x3b: {  	[tilespmem:s17], [sflag:$0x1] =	stream.indirect.gather [hbm4b:s4+s16], $0x80, s26, s16, $0xb8;
	[tilespmem:$0x1E800] =	vst v63  }
0x3c: {  	_ =	swait.ge [sflag:s20], $0x4000  }
.Ltmp0:
0x3d: {  	[sflag:s20] =	ssyncset.done $0x0;
	(pc) =	sbr.rel @p0 .LBB2_2-.Ltmp0, $4  }
0x3e: {  	s25 =	sadd.s32 $0x1480, s25;
	[sflag:s20] =	ssyncadd.s32 $0xFFFFC000  }
0x3f: {  	[spmem:s1] =	stream.indirect.scatter.add.f32 [tilespmem:s18], [sflag:$0x3], $0x80, s25, s16, $0xb8;
	[tilespmem:$0x1E800] =	vst v63  }
0x40: {  	_ =	swait.ge [sflag:s14], $0x4000  }
0x41: {  	s26 =	smov.u32 s30;
	s25 =	sshra.s32 s29, $0x2;
	[sflag:s14] =	ssyncset.done $0x0  }
0x42: {  	s26 =	sadd.s32 $0x80, s25;
	[sflag:s14] =	ssyncadd.s32 $0xFFFFC000  }
0x43: {  	[tilespmem:s18], [sflag:$0x2] =	stream.indirect.gather [hbm4b:s4+s16], $0x80, s26, s16, $0xb8;
	[tilespmem:$0x1E800] =	vst v63  }
0x44: {  	_ =	swait.ge [sflag:s19], $0x4000  }
0x45: {  	[sflag:s19] =	ssyncset.done $0x0  }
0x46: {  	s29 =	sadd.s32 $0x1400, s25;
	[sflag:s19] =	ssyncadd.s32 $0xFFFFC000  }
0x47: {  	[spmem:s1] =	stream.indirect.scatter.add.f32 [tilespmem:s17], [sflag:$0x3], $0x80, s29, s16, $0xb8;
	[tilespmem:$0x1E800] =	vst v63  }
0x48: {  	_ =	swait.ge [sflag:s14], $0x4000  }
0x49: {  	[sflag:s14] =	ssyncset.done $0x0  }
0x4a: {  	s30 =	sadd.s32 $0x100, s25;
	[sflag:s14] =	ssyncadd.s32 $0xFFFFC000  }
0x4b: {  	[tilespmem:s17], [sflag:$0x1] =	stream.indirect.gather [hbm4b:s4+s16], $0x80, s30, s16, $0xb8;
	[tilespmem:$0x1E800] =	vst v63  }
0x4c: {  	_ =	swait.ge [sflag:s20], $0x4000  }
0x4d: {  	[sflag:s20] =	ssyncset.done $0x0  }
0x4e: {  	s31 =	sadd.s32 $0x1480, s25;
	[sflag:s20] =	ssyncadd.s32 $0xFFFFC000  }
0x4f: {  	[spmem:s1] =	stream.indirect.scatter.add.f32 [tilespmem:s18], [sflag:$0x3], $0x80, s31, s16, $0xb8;
	[tilespmem:$0x1E800] =	vst v63  }
0x50: {  	_ =	swait.ge [sflag:s14], $0x4000  }
0x51: {  	[sflag:s14] =	ssyncset.done $0x0  }
0x52: {  	[sflag:s14] =	ssyncadd.s32 $0xFFFFC000  }
0x53: {  	[tilespmem:s18], [sflag:$0x2] =	stream.indirect.gather [hbm4b:s4+s16], $0x80, s21, s16, $0xb8;
	[tilespmem:$0x1E800] =	vst v63  }
0x54: {  	_ =	swait.ge [sflag:s19], $0x4000  }
0x55: {  	[sflag:s19] =	ssyncset.done $0x0  }
0x56: {  	[sflag:s19] =	ssyncadd.s32 $0xFFFFC000  }
0x57: {  	[spmem:s1] =	stream.indirect.scatter.add.f32 [tilespmem:s17], [sflag:$0x3], $0x80, s22, s16, $0xb8;
	[tilespmem:$0x1E800] =	vst v63  }
0x58: {  	_ =	swait.ge [sflag:s14], $0x4000  }
0x59: {  	[sflag:s14] =	ssyncset.done $0x0  }
0x5a: {  	[sflag:s14] =	ssyncadd.s32 $0xFFFFC000  }
0x5b: {  	_ =	swait.ge [sflag:s20], $0x4000  }
0x5c: {  	[sflag:s20] =	ssyncset.done $0x0  }
0x5d: {  	[sflag:s20] =	ssyncadd.s32 $0xFFFFC000  }
0x5e: {  	[spmem:s1] =	stream.indirect.scatter.add.f32 [tilespmem:s18], [sflag:$0x3], $0x80, s23, s16, $0xb8;
	[tilespmem:$0x1E800] =	vst v63  }
0x5f: {  	_ =	swait.ge [sflag:s14], $0x4000  }
0x60: {  	[sflag:s14] =	ssyncset.done $0x0  }
0x61: {  	s26 =	simm.s32 $0x0;
	[sflag:s14] =	ssyncadd.s32 $0xFFFFC000  }
0x62: {  	[tilespmem:s26], [sflag:$0x3] =	stream.linear.gather [hbm4b:s9+s26], $0x1400, $0x38;
	[tilespmem:$0x1E800] =	vst v63  }
0x63: {  	_ =	swait.ge [sflag:s14], $0x1400  }
0x64: {  	[sflag:s14] =	ssyncset.done $0x0  }
0x65: {  	[sflag:s14] =	ssyncadd.s32 $0xFFFFEC00  }
0x66: {  	[tilespmem:s15], [sflag:$0x3] =	stream.linear.gather [hbm4b:s10+s26], $0x1400, $0x38;
	[tilespmem:$0x1E800] =	vst v63  }
0x67: {  	_ =	swait.ge [sflag:s14], $0x1400  }
0x68: {  	[sflag:s14] =	ssyncset.done $0x0  }
0x69: {  	[sflag:s14] =	ssyncadd.s32 $0xFFFFEC00  }
0x6a: {  	[tilespmem:s17], [sflag:$0x1] =	stream.indirect.gather [hbm4b:s4+s16], $0x80, s26, s16, $0xb8;
	[tilespmem:$0x1E800] =	vst v63  }
0x6b: {  	s28 =	simm.s32 $0x80  }
0x6c: {  	[tilespmem:s18], [sflag:$0x2] =	stream.indirect.gather [hbm4b:s4+s16], $0x80, s28, s16, $0xb8;
	[tilespmem:$0x1E800] =	vst v63  }
0x6d: {  	_ =	swait.ge [sflag:s19], $0x4000  }
0x6e: {  	[sflag:s19] =	ssyncset.done $0x0  }
0x6f: {  	s29 =	simm.s32 $0x1400;
	[sflag:s19] =	ssyncadd.s32 $0xFFFFC000  }
0x70: {  	[spmem:s1] =	stream.indirect.scatter.add.f32 [tilespmem:s17], [sflag:$0x3], $0x80, s29, s16, $0xb8;
	[tilespmem:$0x1E800] =	vst v63  }
0x71: {  	_ =	swait.ge [sflag:s14], $0x4000  }
0x72: {  	[sflag:s14] =	ssyncset.done $0x0  }
0x73: {  	s30 =	simm.s32 $0x100;
	[sflag:s14] =	ssyncadd.s32 $0xFFFFC000  }
0x74: {  	[tilespmem:s17], [sflag:$0x1] =	stream.indirect.gather [hbm4b:s4+s16], $0x80, s30, s16, $0xb8;
	[tilespmem:$0x1E800] =	vst v63  }
0x75: {  	_ =	swait.ge [sflag:s20], $0x4000  }
0x76: {  	[sflag:s20] =	ssyncset.done $0x0  }
0x77: {  	s31 =	simm.s32 $0x1480;
	[sflag:s20] =	ssyncadd.s32 $0xFFFFC000  }
0x78: {  	[spmem:s1] =	stream.indirect.scatter.add.f32 [tilespmem:s18], [sflag:$0x3], $0x80, s31, s16, $0xb8;
	[tilespmem:$0x1E800] =	vst v63  }
0x79: {  	_ =	swait.ge [sflag:s14], $0x4000  }
0x7a: {  	s25 =	simm.s32 $0x100;
	s26 =	simm.s32 $0x800;
	[sflag:s14] =	ssyncset.done $0x0  }
.LBB2_4:
0x7b: {  	s28 =	sadd.s32 $0x80, s25  }
0x7c: {  	[sflag:s14] =	ssyncadd.s32 $0xFFFFC000;
	s29 =	smov.u32 s26;
	s30 =	sadd.s32 $0x400, s26  }
0x7d: {  	[tilespmem:s18], [sflag:$0x2] =	stream.indirect.gather [hbm4b:s4+s16], $0x80, s28, s16, $0xb8;
	[tilespmem:$0x1E800] =	vst v63  }
0x7e: {  	p0 =	sne.s32 s26, $0x4800;
	_ =	swait.ge [sflag:s19], $0x4000  }
0x7f: {  	[sflag:s19] =	ssyncset.done $0x0  }
0x80: {  	s26 =	sadd.s32 $0x1400, s25;
	[sflag:s19] =	ssyncadd.s32 $0xFFFFC000  }
0x81: {  	[spmem:s1] =	stream.indirect.scatter.add.f32 [tilespmem:s17], [sflag:$0x3], $0x80, s26, s16, $0xb8;
	[tilespmem:$0x1E800] =	vst v63  }
0x82: {  	_ =	swait.ge [sflag:s14], $0x4000  }
0x83: {  	[sflag:s14] =	ssyncset.done $0x0  }
0x84: {  	s26 =	sadd.s32 $0x100, s25;
	[sflag:s14] =	ssyncadd.s32 $0xFFFFC000  }
0x85: {  	[tilespmem:s17], [sflag:$0x1] =	stream.indirect.gather [hbm4b:s4+s16], $0x80, s26, s16, $0xb8;
	[tilespmem:$0x1E800] =	vst v63  }
0x86: {  	_ =	swait.ge [sflag:s20], $0x4000  }
.Ltmp1:
0x87: {  	[sflag:s20] =	ssyncset.done $0x0;
	(pc) =	sbr.rel @p0 .LBB2_4-.Ltmp1, $4  }
0x88: {  	s25 =	sadd.s32 $0x1480, s25;
	[sflag:s20] =	ssyncadd.s32 $0xFFFFC000  }
0x89: {  	[spmem:s1] =	stream.indirect.scatter.add.f32 [tilespmem:s18], [sflag:$0x3], $0x80, s25, s16, $0xb8;
	[tilespmem:$0x1E800] =	vst v63  }
0x8a: {  	_ =	swait.ge [sflag:s14], $0x4000  }
0x8b: {  	s26 =	smov.u32 s30;
	s25 =	sshra.s32 s29, $0x2;
	[sflag:s14] =	ssyncset.done $0x0  }
0x8c: {  	s26 =	sadd.s32 $0x80, s25;
	[sflag:s14] =	ssyncadd.s32 $0xFFFFC000  }
0x8d: {  	[tilespmem:s18], [sflag:$0x2] =	stream.indirect.gather [hbm4b:s4+s16], $0x80, s26, s16, $0xb8;
	[tilespmem:$0x1E800] =	vst v63  }
0x8e: {  	_ =	swait.ge [sflag:s19], $0x4000  }
0x8f: {  	[sflag:s19] =	ssyncset.done $0x0  }
0x90: {  	s29 =	sadd.s32 $0x1400, s25;
	[sflag:s19] =	ssyncadd.s32 $0xFFFFC000  }
0x91: {  	[spmem:s1] =	stream.indirect.scatter.add.f32 [tilespmem:s17], [sflag:$0x3], $0x80, s29, s16, $0xb8;
	[tilespmem:$0x1E800] =	vst v63  }
0x92: {  	_ =	swait.ge [sflag:s14], $0x4000  }
0x93: {  	[sflag:s14] =	ssyncset.done $0x0  }
0x94: {  	s30 =	sadd.s32 $0x100, s25;
	[sflag:s14] =	ssyncadd.s32 $0xFFFFC000  }
0x95: {  	[tilespmem:s17], [sflag:$0x1] =	stream.indirect.gather [hbm4b:s4+s16], $0x80, s30, s16, $0xb8;
	[tilespmem:$0x1E800] =	vst v63  }
0x96: {  	_ =	swait.ge [sflag:s20], $0x4000  }
0x97: {  	[sflag:s20] =	ssyncset.done $0x0  }
0x98: {  	s31 =	sadd.s32 $0x1480, s25;
	[sflag:s20] =	ssyncadd.s32 $0xFFFFC000  }
0x99: {  	[spmem:s1] =	stream.indirect.scatter.add.f32 [tilespmem:s18], [sflag:$0x3], $0x80, s31, s16, $0xb8;
	[tilespmem:$0x1E800] =	vst v63  }
0x9a: {  	_ =	swait.ge [sflag:s14], $0x4000  }
0x9b: {  	[sflag:s14] =	ssyncset.done $0x0  }
0x9c: {  	[sflag:s14] =	ssyncadd.s32 $0xFFFFC000  }
0x9d: {  	[tilespmem:s18], [sflag:$0x2] =	stream.indirect.gather [hbm4b:s4+s16], $0x80, s21, s16, $0xb8;
	[tilespmem:$0x1E800] =	vst v63  }
0x9e: {  	_ =	swait.ge [sflag:s19], $0x4000  }
0x9f: {  	[sflag:s19] =	ssyncset.done $0x0  }
0xa0: {  	[sflag:s19] =	ssyncadd.s32 $0xFFFFC000  }
0xa1: {  	[spmem:s1] =	stream.indirect.scatter.add.f32 [tilespmem:s17], [sflag:$0x3], $0x80, s22, s16, $0xb8;
	[tilespmem:$0x1E800] =	vst v63  }
0xa2: {  	_ =	swait.ge [sflag:s14], $0x4000  }
0xa3: {  	[sflag:s14] =	ssyncset.done $0x0  }
0xa4: {  	[sflag:s14] =	ssyncadd.s32 $0xFFFFC000  }
0xa5: {  	_ =	swait.ge [sflag:s20], $0x4000  }
0xa6: {  	[sflag:s20] =	ssyncset.done $0x0  }
0xa7: {  	[sflag:s20] =	ssyncadd.s32 $0xFFFFC000  }
0xa8: {  	[spmem:s1] =	stream.indirect.scatter.add.f32 [tilespmem:s18], [sflag:$0x3], $0x80, s23, s16, $0xb8;
	[tilespmem:$0x1E800] =	vst v63  }
0xa9: {  	_ =	swait.ge [sflag:s14], $0x4000  }
0xaa: {  	s24 =	sadd.s32 $0x1, s24;
	[sflag:s14] =	ssyncset.done $0x0  }
0xab: {  	p0 =	sne.s32 s24, s12;
	[sflag:s14] =	ssyncadd.s32 $0xFFFFC000  }
.Ltmp2:
0xac: {  	[bflag:$0x0] =	sbarrier.arrive $0xFFFF;
	(pc) =	sbr.rel @p0 .LBB2_1-.Ltmp2, $4  }
0xad: {  	[hbm:s11], [sflag:s6] =	dma.local [spmem:s13], $0x2800  }
0xae: {  	_ =	swait.ge [sflag:s14], $0x2800  }
0xaf: {  	[sflag:s14] =	ssyncset.done $0x0  }
0xb0: {  	[sflag:s14] =	ssyncadd.s32 $0xFFFFD800  }
0xb1: {  	_ =	sfence.sel $0x180000  }
0xb2: {  	[bflag:$0x0] =	sbarrier.arrive $0xFFFF  }
0xb3: {  	p0 =	sne.s32 s2, $0x0;
	_ =	strace $0x9000004D  }
0xb4: {  	s0 =	sadd.s32 @!p0 $0x100000, s0;
	[bflag:$0x2] =	sbarrier.arrive $0xFFFF  }
0xb5: {  	[sflag:s0] =	ssyncadd.tile.s32 @!p0 $0x1;
	_ =	shalt  }
.Lfunc_end2:
_tile_overlayer_lowered:
.L_overlay_start_2:
0xb6: {  	(tag) =	ssettag $0x2  }
0xb7: {  	s0 =	rddreg [dreg:$0x0];
	s2 =	stileid.u32  }
0xb8: {  	s1 =	rddreg [dreg:$0x1];
	p0 =	sne.s32 s2, $0x0  }
0xb9: {  	s3 =	rddreg [dreg:$0x2];
	[bflag:$0x3] =	sbarrier.arrive $0xFFFF;
	s2 =	simm.s32 @!p0 $0x1C03  }
0xba: {  	[timem:s3], [sflag:s2] =	dma.local @!p0 [hbm:s0], s1  }
0xbb: {  	s0 =	simm.s32 @!p0 $0x3  }
0xbc: {  	_ =	swait.ge @!p0 [sflag:s0], s1  }
0xbd: {  	s1 =	ssub.s32 @!p0 $0x0, s1;
	[sflag:s0] =	ssyncset.done @!p0 $0x0  }
0xbe: {  	[sflag:s0] =	ssyncadd.s32 @!p0 s1  }
0xbf: {  	[bflag:$0x3] =	sbarrier.arrive $0xFFFF  }
0xc0: {  	_ =	shalt  }

// kernel: kernel.8.cloned.1.call-start
scs
__scs_entry_jumppad:
0x0: {  	(pc) =	sbr.rel $0x88, $3  }
0x1: {  	(tag) =	ssettag $0x0;
	lr =	simm.s32 $0x1  }
0x2: {  	[smem:$0x3F9B] =	sst lr;
	_ =	strace $0xD0000000  }
0x3: {  	_ = 	snop  }
0x4: {  	_ = 	snop  }
0x5: {  	_ = 	snop  }
0x6: {  	_ = 	snop  }
0x7: {  	_ = 	snop  }
__scs_overlays_trampoline_lowered:
0x8: {  	[smem:$0x3FAA] =	sst s0  }
0x9: {  	[smem:$0x3FAB] =	sst s1  }
0xa: {  	[smem:$0x3FAC] =	sst s2  }
0xb: {  	[smem:$0x3FAD] =	sst s3  }
0xc: {  	[smem:$0x3FAE] =	sst s4  }
0xd: {  	[smem:$0x3FAF] =	sst s5  }
0xe: {  	[smem:$0x3FB0] =	sst s6  }
0xf: {  	[smem:$0x3FB1] =	sst s7  }
0x10: {  	[smem:$0x3FB2] =	sst s8  }
0x11: {  	[smem:$0x3FB3] =	sst s9;
	s0 =	simm.s32 @!p0 $0x0  }
0x12: {  	s1 =	sld [smem:$0x3F99];
	s0 =	simm.s32 @p0 $0x1  }
0x13: {  	[smem:$0x3FB4] =	sst s0;
	s0 =	simm.s32 @!p1 $0x0  }
0x14: {  	s2 =	sld [smem:$0x3F98];
	s0 =	simm.s32 @p1 $0x1  }
0x15: {  	[smem:$0x3FB5] =	sst s0;
	s0 =	simm.s32 @!p2 $0x0  }
0x16: {  	s3 =	sld [smem:$0x3FDB];
	s0 =	simm.s32 @p2 $0x1  }
0x17: {  	s4 =	simm.s32 $0x1BF5;
	[smem:$0x3FB7] =	sst s0  }
0x18: {  	s0 =	sld [smem:$0x3F9A];
	_ =	swait.ge [sflag:s4], $0x0  }
0x19: {  	s7 =	sld [smem:$0x3F9B]  }
0x1a: {  	s8 =	sadd.s32 $0xFFFFE003, lr  }
0x1b: {  	s9 =	sadd.s32 $0xFFFFFEF7, lr;
	s5 =	simm.s32 $0xFFFFFFFF;
	p2 =	slt.u32 s8, $0xFFFFF086  }
0x1c: {  	p1 =	slt.u32 s9, $0xF7A;
	s5 =	simm.s32 @!p2 $0x0  }
0x1d: {  	s5 =	simm.s32 @p1 $0x1;
	p0 =	seq.s32 s7, s2  }
0x1e: {  	s7 =	smul.u32 @!p0 $0xF7A, s2;
	p2 =	seq.s32 @!p0 s5, $0x0  }
0x1f: {  	s9 =	smul.u32 $0xF7A, s1;
	s8 =	simm.s32 @!p0 $0x1BF5;
	p2 =	por !p2, p0  }
0x20: {  	[sflag:s8] =	ssyncset.s32 @!p0 $0xFFFFF086;
	s6 =	sadd.s32 @!p0 s3, s7;
	s7 =	simm.s32 @!p0 $0x108  }
0x21: {  	s3 =	sadd.s32 s3, s9;
	s6 =	sadd.s32 @!p0 $0x88, s6;
	s7 =	simm.s32 @p2 $0x1082  }
0x22: {  	[simem:s7], [sflag:s8] =	dma.local @!p0 [hbm:s6], $0xF7A  }
0x23: {  	s9 =	sor.u32 $0xD0000000, s2;
	s6 =	simm.s32 $0x108;
	_ =	swait.ge @!p0 [sflag:s8], $0x0  }
0x24: {  	s3 =	sadd.s32 $0x88, s3;
	s6 =	simm.s32 @!p1 $0x1082;
	[sflag:s4] =	ssyncset.s32 $0xFFFFF086  }
0x25: {  	[simem:s6], [sflag:s4] =	dma.local [hbm:s3], $0xF7A  }
0x26: {  	[smem:$0x3F9B] =	sst s1;
	(tag) =	ssettag s2;
	_ =	strace s9  }
0x27: {  	s1 =	sld [smem:$0x3FAB]  }
0x28: {  	s2 =	sld [smem:$0x3FAC]  }
0x29: {  	s4 =	sld [smem:$0x3FAE]  }
0x2a: {  	p0 =	seq.s32 s5, $0x0;
	s5 =	sld [smem:$0x3FAF]  }
0x2b: {  	s6 =	sld [smem:$0x3FB0]  }
0x2c: {  	s7 =	sld [smem:$0x3FB1]  }
0x2d: {  	s3 =	simm.s32 $0x108;
	s8 =	sld [smem:$0x3FB2]  }
0x2e: {  	s3 =	simm.s32 @!p0 $0x1082;
	s9 =	sld [smem:$0x3FB3]  }
0x2f: {  	lr =	sadd.s32 s0, s3;
	s0 =	sld [smem:$0x3FAA]  }
0x30: {  	s3 =	sld [smem:$0x3FAD]  }
0x31: {  	[smem:$0x3FB6] =	sst s10  }
0x32: {  	s10 =	sld [smem:$0x3FB4];
	_ =	sdelay $0x3  }
0x33: {  	p0 =	seq.s32 s10, $0x1;
	s10 =	sld [smem:$0x3FB6];
	_ =	sdelay $0x3  }
0x34: {  	[smem:$0x3FB6] =	sst s10  }
0x35: {  	s10 =	sld [smem:$0x3FB5];
	_ =	sdelay $0x3  }
0x36: {  	p1 =	seq.s32 s10, $0x1;
	s10 =	sld [smem:$0x3FB6];
	_ =	sdelay $0x3  }
0x37: {  	[smem:$0x3FB6] =	sst s10  }
0x38: {  	s10 =	sld [smem:$0x3FB7]  }
0x39: {  	_ = 	snop;
	(pc) =	sbr.ind lr, $3  }
0x3a: {  	_ = 	snop  }
0x3b: {  	_ = 	snop  }
0x3c: {  	p2 =	seq.s32 s10, $0x1;
	s10 =	sld [smem:$0x3FB6]  }
0x3d: {  	_ =	shalt  }
0x3e: {  	_ =	shalt  }
0x3f: {  	_ =	shalt  }
0x40: {  	_ =	shalt  }
0x41: {  	_ =	shalt  }
0x42: {  	_ =	shalt  }
0x43: {  	_ =	shalt  }
0x44: {  	_ =	shalt  }
0x45: {  	_ =	shalt  }
0x46: {  	_ =	shalt  }
0x47: {  	_ =	shalt  }
0x48: {  	_ =	shalt  }
0x49: {  	_ =	shalt  }
0x4a: {  	_ =	shalt  }
0x4b: {  	_ =	shalt  }
0x4c: {  	_ =	shalt  }
0x4d: {  	_ =	shalt  }
0x4e: {  	_ =	shalt  }
0x4f: {  	_ =	shalt  }
0x50: {  	_ =	shalt  }
0x51: {  	_ =	shalt  }
0x52: {  	_ =	shalt  }
0x53: {  	_ =	shalt  }
0x54: {  	_ =	shalt  }
0x55: {  	_ =	shalt  }
0x56: {  	_ =	shalt  }
0x57: {  	_ =	shalt  }
0x58: {  	_ =	shalt  }
0x59: {  	_ =	shalt  }
0x5a: {  	_ =	shalt  }
0x5b: {  	_ =	shalt  }
0x5c: {  	_ =	shalt  }
0x5d: {  	_ =	shalt  }
0x5e: {  	_ =	shalt  }
0x5f: {  	_ =	shalt  }
0x60: {  	_ =	shalt  }
0x61: {  	_ =	shalt  }
0x62: {  	_ =	shalt  }
0x63: {  	_ =	shalt  }
0x64: {  	_ =	shalt  }
0x65: {  	_ =	shalt  }
0x66: {  	_ =	shalt  }
0x67: {  	_ =	shalt  }
0x68: {  	_ =	shalt  }
0x69: {  	_ =	shalt  }
0x6a: {  	_ =	shalt  }
0x6b: {  	_ =	shalt  }
0x6c: {  	_ =	shalt  }
0x6d: {  	_ =	shalt  }
0x6e: {  	_ =	shalt  }
0x6f: {  	_ =	shalt  }
0x70: {  	_ =	shalt  }
0x71: {  	_ =	shalt  }
0x72: {  	_ =	shalt  }
0x73: {  	_ =	shalt  }
0x74: {  	_ =	shalt  }
0x75: {  	_ =	shalt  }
0x76: {  	_ =	shalt  }
0x77: {  	_ =	shalt  }
0x78: {  	_ =	shalt  }
0x79: {  	_ =	shalt  }
0x7a: {  	_ =	shalt  }
0x7b: {  	_ =	shalt  }
0x7c: {  	_ =	shalt  }
0x7d: {  	_ =	shalt  }
0x7e: {  	_ =	shalt  }
0x7f: {  	_ =	shalt  }
0x80: {  	_ =	shalt  }
0x81: {  	_ =	shalt  }
0x82: {  	_ =	shalt  }
0x83: {  	_ =	shalt  }
0x84: {  	_ =	shalt  }
0x85: {  	_ =	shalt  }
0x86: {  	_ =	shalt  }
0x87: {  	_ =	shalt  }
.Lfunc_end0:
.L_simem_size_0:
called_computation_lowered:
.L_overlay_start_0:
0x88: {  	s2 =	sld [smem:$0x3FD9]  }
0x89: {  	s3 =	sld [smem:$0x3FFE];
	_ =	sdelay $0x1  }
0x8a: {  	s1 =	srdreg.scid  }
0x8b: {  	s0 =	sand.u32 $0x1, s1  }
0x8c: {  	s16 =	sshll.u32 s0, $0xA;
	s2 =	sadd.s32 s3, s2  }
0x8d: {  	s2 =	sadd.s32 s2, s16  }
0x8e: {  	[smem:$0x3FC2] =	sst s2  }
0x8f: {  	_ = 	snop  }
0x90: {  	(tm) =	ssettm $0x1  }
0x91: {  	s17 =	sld [smem:$0x3FFB];
	_ =	sdelay $0x3  }
0x92: {  	_ =	strace s17  }
0x93: {  	s2 =	sld [smem:$0x3FFC];
	_ =	sdelay $0x3  }
0x94: {  	_ =	strace s2  }
0x95: {  	s2 =	sld [smem:$0x3FFD];
	_ =	sdelay $0x3  }
0x96: {  	_ =	strace s2  }
0x97: {  	_ =	strace $0x8FFFFFFF  }
0x98: {  	s18 =	sld [smem:$0x3FDB];
	_ =	sdelay $0x1  }
0x99: {  	s19 =	simm.s32 $_scs_section_size  }
0x9a: {  	s4 =	simm.s32 $_size__tile_overlayer_lowered;
	s5 =	simm.s32 $_tile_overlayer_lowered  }
0x9b: {  	s22 =	simm.s32 $0x1BFF;
	s21 =	sshll.u32 s5, $0x1;
	s2 =	sadd.s32 s19, s18  }
0x9c: {  	s6 =	simm.s32 $0x0;
	s20 =	sshll.u32 s4, $0x1;
	s4 =	sadd.s32 s21, s2  }
0x9d: {  	[timem:s6], [sflag:s22] =	dma.local [hbm:s4], s20  }
0x9e: {  	_ =	swait.ge [sflag:s22], s20  }
0x9f: {  	s3 =	ssub.s32 $0x0, s20;
	[sflag:s22] =	ssyncset.done $0x0  }
0xa0: {  	[sflag:s22] =	ssyncadd.s32 s3;
	_ =	sdelay $0x1  }
0xa1: {  	s23 =	simm.s32 $0x1B8B  }
0xa2: {  	_ =	swait.ge [sflag:s23], $0x1  }
0xa3: {  	[sflag:s23] =	ssyncset.done $0x0  }
0xa4: {  	s25 =	simm.s32 $0x1B8E;
	s24 =	sld [smem:$0x3FFE];
	[sflag:s23] =	ssyncadd.s32 $0xFFFFFFFF  }
0xa5: {  	s26 =	simm.s32 $execute0_lowered;
	[smem:$0x3FD2] =	sst s25  }
0xa6: {  	s4 =	sshll.u32 s26, $0x1;
	_ =	strace $0x80000046;
	[dreg:$0x1] =	wrdreg $0xFFFFFFFF  }
0xa7: {  	s28 =	simm.s32 $_size_execute0_lowered;
	s2 =	sadd.s32 s2, s4;
	[dreg:$0x0] =	wrdreg $0x0  }
0xa8: {  	s4 =	sshll.u32 s28, $0x1;
	[dreg:$0x2] =	wrdreg s2  }
0xa9: {  	[dreg:$0x3] =	wrdreg s4  }
0xaa: {  	[dreg:$0x4] =	wrdreg $0xC0  }
0xab: {  	_ =	task [dreg:s6], $0x5FFFF  }
0xac: {  	[dreg:$0x1] =	wrdreg $0xFFFFFFFF  }
0xad: {  	[dreg:$0x0] =	wrdreg $0x60  }
0xae: {  	[dreg:$0x2] =	wrdreg s24  }
0xaf: {  	[dreg:$0x3] =	wrdreg $0x68000  }
0xb0: {  	[dreg:$0x4] =	wrdreg $0x9  }
0xb1: {  	_ =	task.clear_ibuf [dreg:s6], $0x5FFFF;
	_ =	strace $0x90000046  }
0xb2: {  	s29 =	simm.s32 $0x9;
	_ =	strace $0x80000048  }
0xb3: {  	_ =	swait.ge [sflag:s29], $0x1  }
0xb4: {  	[sflag:s29] =	ssyncadd.s32 $0xFFFFFFFF  }
0xb5: {  	_ =	strace $0x90000048  }
0xb6: {  	_ =	sfence  }
0xb7: {  	s30 =	sld [smem:$0x0];
	_ =	sdelay $0x2  }
0xb8: {  	s31 =	sshll.u32 s1, $0xD;
	s1 =	sshrl.u32 s1, $0x2  }
0xb9: {  	s3 =	sand.u32 $0x4000, s31;
	s1 =	sadd.s32 s1, s30  }
0xba: {  	s0 =	sor.u32 s3, s0;
	s1 =	sshll.u32 s1, $0x11  }
0xbb: {  	s0 =	sor.u32 s1, s0  }
0xbc: {  	s0 =	sadd.s32 $0x8F2B, s0  }
0xbd: {  	[sflag:s0] =	ssyncadd.remote.s32 $0x1  }
0xbe: {  	_ =	sfence.sel $0xFFFF  }
0xbf: {  	[dreg:$0x0] =	wrdreg $0xFFFFFFFF;
	(pc) =	sbr.abs _section_cstart, $3  }
0xc0: {  	[dreg:$0x1] =	wrdreg $0xFFFFFFFF  }
0xc1: {  	_ =	task.clear_ibuf [dreg:s6], $0x2FFFF;
	_ =	strace $0x9FFFFFFF  }
0xc2: {  	(tm) =	ssettm $0x7FFFFFFF  }
0xc3: {  	_ =	shalt  }
tec
execute0_lowered:
.L_overlay_start_1:
0x0: {  	(tag) =	ssettag $0x1  }
0x1: {  	s7 =	rddreg [dreg:$0x0]  }
0x2: {  	s0 =	srdreg.scid;
	s2 =	rddreg [dreg:$0x1]  }
0x3: {  	s3 =	simm.s32 $0x0;
	s13 =	simm.s32 $0x80;
	s6 =	sand.u32 $0x1, s0  }
0x4: {  	s14 =	simm.s32 $0x0;
	s0 =	stileid.u32;
	s5 =	smul.u32 $0x140000, s6  }
0x5: {  	[smem:$0x7FF] =	sst s3;
	s1 =	sshll.u32 s6, $0x4;
	s8 =	smul.u32 $0x14000, s0  }
0x6: {  	s10 =	smul.u32 $0x50000, s0;
	s6 =	ssub.s32 $0x2, s6;
	s11 =	sshll.u32 s0, $0x6  }
0x7: {  	s1 =	sor.u32 s0, s1;
	s31 =	sshrl.u32 s6, $0x1;
	s11 =	sor.u32 $0x1C01, s11  }
0x8: {  	s4 =	smul.u32 $0x500, s1;
	s1 =	rddreg [dreg:$0x2];
	_ =	strace $0x80000047  }
0x9: {  	s8 =	sadd.s32 s8, s5;
	s5 =	sadd.s32 $0xDE00, s7;
	s10 =	sshrl.u32 s10, $0x2  }
0xa: {  	s8 =	sshrl.u32 s8, $0x3;
	s12 =	sadd.s32 s10, s2;
	s10 =	simm.s32 $0x2800  }
0xb: {  	s9 =	sadd.s32 s4, s7;
	s4 =	sadd.s32 $0xD600, s7;
	s7 =	sadd.s32 s8, s7  }
0xc: {  	s8 =	ssub.s32 s6, s31;
	s12 =	sshrl.u32 s12, $0x3;
	s6 =	sadd.s32 $0x3600, s9  }
0xd: {  	s7 =	sadd.s32 $0x10600, s7;
	s8 =	smax.u32 s8, $0x1;
	s9 =	simm.s32 $0x1  }
.LBB2_1:
0xe: {  	[tilespmem:s3], [sflag:$0x1] =	stream.linear.gather [hbm4b:s6+s3], $0x2800, $0x38;
	[tilespmem:$0x1A800] =	vst v63  }
0xf: {  	_ =	swait.ge [sflag:s9], $0x2800  }
0x10: {  	[sflag:s9] =	ssyncset.done $0x0  }
0x11: {  	[sflag:s9] =	ssyncadd.s32 $0xFFFFD800  }
0x12: {  	[tilespmem:s10], [sflag:$0x1] =	stream.linear.gather [hbm4b:s4+s3], $0x4000, $0x38;
	[tilespmem:$0x1A800] =	vst v63  }
0x13: {  	_ =	swait.ge [sflag:s9], $0x4000  }
0x14: {  	[sflag:s9] =	ssyncset.done $0x0  }
0x15: {  	[sflag:s9] =	ssyncadd.s32 $0xFFFFC000  }
0x16: {  	[spmem:s12], [sflag:s11] =	dma.local [hbm:s5], $0x2800  }
0x17: {  	_ =	swait.ge [sflag:s9], $0x2800  }
0x18: {  	[sflag:s9] =	ssyncset.done $0x0  }
0x19: {  	[sflag:s9] =	ssyncadd.s32 $0xFFFFD800  }
0x1a: {  	s15 =	simm.s32 $0x0;
	[bflag:$0x0] =	sbarrier.arrive $0xFFFF  }
0x1b: {  	[spmem:s2] =	stream.indirect.scatter.add.f32 [tilespmem:s10], [sflag:$0x1], $0x80, s15, s13, $0xb8;
	[tilespmem:$0x1A800] =	vst v63  }
0x1c: {  	_ =	swait.ge [sflag:s9], $0x4000  }
0x1d: {  	s15 =	simm.s32 $0x200;
	[sflag:s9] =	ssyncset.done $0x0  }
.LBB2_2:
0x1e: {  	s16 =	sshra.s32 s15, $0x2;
	[sflag:s9] =	ssyncadd.s32 $0xFFFFC000;
	p0 =	sne.s32 s15, $0x9E00  }
0x1f: {  	[spmem:s2] =	stream.indirect.scatter.add.f32 [tilespmem:s10], [sflag:$0x1], $0x80, s16, s13, $0xb8;
	[tilespmem:$0x1A800] =	vst v63  }
.Ltmp0:
0x20: {  	_ = 	snop;
	(pc) =	sbr.rel @p0 .LBB2_2-.Ltmp0, $4  }
0x21: {  	_ = 	snop  }
0x22: {  	s15 =	sadd.s32 $0x200, s15  }
0x23: {  	_ =	swait.ge [sflag:s9], $0x4000  }
0x24: {  	[sflag:s9] =	ssyncset.done $0x0  }
0x25: {  	s14 =	sadd.s32 $0x1, s14  }
0x26: {  	[sflag:s9] =	ssyncadd.s32 $0xFFFFC000;
	p0 =	sne.s32 s14, s8  }
.Ltmp1:
0x27: {  	[bflag:$0x0] =	sbarrier.arrive $0xFFFF;
	(pc) =	sbr.rel @p0 .LBB2_1-.Ltmp1, $4  }
0x28: {  	[hbm:s7], [sflag:s11] =	dma.local [spmem:s12], $0x2800  }
0x29: {  	_ =	swait.ge [sflag:s9], $0x2800  }
0x2a: {  	[sflag:s9] =	ssyncset.done $0x0  }
0x2b: {  	[sflag:s9] =	ssyncadd.s32 $0xFFFFD800  }
0x2c: {  	_ =	sfence.sel $0x180000  }
0x2d: {  	[bflag:$0x0] =	sbarrier.arrive $0xFFFF  }
0x2e: {  	p0 =	sne.s32 s0, $0x0;
	_ =	strace $0x90000047  }
0x2f: {  	s0 =	sadd.s32 @!p0 $0x100000, s1;
	[bflag:$0x2] =	sbarrier.arrive $0xFFFF  }
0x30: {  	[sflag:s0] =	ssyncadd.tile.s32 @!p0 $0x1;
	_ =	shalt  }
.Lfunc_end2:
_tile_overlayer_lowered:
.L_overlay_start_2:
0x31: {  	(tag) =	ssettag $0x2  }
0x32: {  	s0 =	rddreg [dreg:$0x0];
	s2 =	stileid.u32  }
0x33: {  	s1 =	rddreg [dreg:$0x1];
	p0 =	sne.s32 s2, $0x0  }
0x34: {  	s3 =	rddreg [dreg:$0x2];
	[bflag:$0x3] =	sbarrier.arrive $0xFFFF;
	s2 =	simm.s32 @!p0 $0x1C01  }
0x35: {  	[timem:s3], [sflag:s2] =	dma.local @!p0 [hbm:s0], s1  }
0x36: {  	s0 =	simm.s32 @!p0 $0x1  }
0x37: {  	_ =	swait.ge @!p0 [sflag:s0], s1  }
0x38: {  	s1 =	ssub.s32 @!p0 $0x0, s1;
	[sflag:s0] =	ssyncset.done @!p0 $0x0  }
0x39: {  	[sflag:s0] =	ssyncadd.s32 @!p0 s1  }
0x3a: {  	[bflag:$0x3] =	sbarrier.arrive $0xFFFF  }
0x3b: {  	_ =	shalt  }

</sc_bundles>
